<compile_context>
chip_gen: v7x
topology: tpu7x:2x2x1
jax: 0.10.2.dev20260603
libtpu: 0.0.44.dev20260713+nightly
codegen_flags: <defaults>
</compile_context>

<pallas_src>
import functools
import jax
import jax.numpy as jnp
from jax import lax
from jax.experimental import pallas as pl
from jax.experimental.pallas import tpu as pltpu
from jax.experimental.pallas import tpu_sc as plsc

_NC, _NS = 2, 16
_NW = _NC * _NS
_CH = 32


def kernel(data, partitions):
    del partitions
    rows, cols = data.shape
    rows_per_w = rows // _NW
    n_chunks = rows_per_w // _CH
    mesh = plsc.VectorSubcoreMesh(core_axis_name="c", subcore_axis_name="s")

    @functools.partial(
        pl.kernel,
        mesh=mesh,
        out_type=jax.ShapeDtypeStruct((rows, cols), data.dtype),
        scratch_types=[
            pltpu.VMEM((_CH, cols), data.dtype),
            pltpu.VMEM((_CH, cols), data.dtype),
            pltpu.SemaphoreType.DMA,
            pltpu.SemaphoreType.DMA,
            pltpu.SemaphoreType.DMA,
            pltpu.SemaphoreType.DMA,
        ],
    )
    def sc_copy(x_hbm, o_hbm, b0, b1, si0, si1, so0, so1):
        wid = lax.axis_index("s") * _NC + lax.axis_index("c")
        base = wid * rows_per_w
        bufs = (b0, b1)
        in_sems = (si0, si1)
        out_sems = (so0, so1)

        def in_copy(j):
            return pltpu.async_copy(
                x_hbm.at[pl.ds(base + j * _CH, _CH)], bufs[j % 2], in_sems[j % 2])

        def out_copy(j):
            return pltpu.async_copy(
                bufs[j % 2], o_hbm.at[pl.ds(base + j * _CH, _CH)], out_sems[j % 2])

        pending_in = {0: in_copy(0)}
        pending_out = {}
        for j in range(n_chunks):
            pending_in.pop(j).wait()
            pending_out[j] = out_copy(j)
            if j + 1 < n_chunks:
                if j - 1 in pending_out:
                    pending_out.pop(j - 1).wait()
                pending_in[j + 1] = in_copy(j + 1)
        for j in list(pending_out):
            pending_out.pop(j).wait()

    return sc_copy(data)

# --- scband reference (transcript-rebuilt; emitter-appended) ---
"""Pipeline reference for scband-dynamic-partition-mask-stitch-module-11098195493301 (READ-ONLY COPY).

The authoritative reference and input builder live on the scoring server;
editing this copy changes nothing except your own understanding.
"""

import jax, jax.numpy as jnp
import numpy as np

OUTPUT_SHAPE = (32768, 1024)


def setup_inputs(seed: int = 0) -> dict:
    key = jax.random.key(seed)
    k1, k2 = jax.random.split(key)
    data = jax.random.normal(k1, (32768, 1024), dtype=jnp.float32)
    partitions = jax.random.randint(k2, (32768,), 0, 2, dtype=jnp.int32)
    return {"data": data, "partitions": partitions}


def reference(data, partitions):
    # torch.ops.custom.dynamic_partition(data, partitions, 2):
    #   splits rows of `data` into partition 0 (partitions==0) and partition 1
    #   (partitions==1), each preserving the original relative order.
    # A stable argsort on the partition ids yields exactly the row order
    # concat(partition_0_indices, partition_1_indices), so gathering by it
    # materializes [part0; part1] (the concatenation the stitch consumes).
    order = jnp.argsort(partitions, stable=True)
    partitioned_concat = jnp.take(data, order, axis=0)  # = concat(dp[0], dp[1])
    # torch.ops.custom.dynamic_mask_stitch([dp0, dp1], partitions, output_shape):
    #   scatters the partitioned rows back to their original positions so that
    #   output[j] = partition_{partitions[j]}[running index within partition].
    out = jnp.zeros(OUTPUT_SHAPE, dtype=data.dtype)
    out = out.at[order].set(partitioned_concat)
    return out

if __name__ == "__main__":
    import jax
    _d = setup_inputs()
    print(jax.jit(kernel)(*tuple(_d.values())))

</pallas_src>

<mosaic_0001>
#map = affine_map<(d0, d1) -> (0, 0)>
module attributes {stable_mosaic.version = 14 : i64} {
  func.func @sc_copy(%arg0: i32, %arg1: i32, %arg2: memref<32768x1024xf32, #tpu.memory_space<hbm>>, %arg3: memref<32768x1024xf32, #tpu.memory_space<hbm>>, %arg4: memref<32x1024xf32, #tpu.memory_space<vmem>>, %arg5: memref<32x1024xf32, #tpu.memory_space<vmem>>, %arg6: memref<!tpu.dma_semaphore, #tpu.memory_space<semaphore_mem>>, %arg7: memref<!tpu.dma_semaphore, #tpu.memory_space<semaphore_mem>>, %arg8: memref<!tpu.dma_semaphore, #tpu.memory_space<semaphore_mem>>, %arg9: memref<!tpu.dma_semaphore, #tpu.memory_space<semaphore_mem>>) attributes {dimension_semantics = [#tpu.dimension_semantics<core_parallel>, #tpu.dimension_semantics<subcore_parallel>], iteration_bounds = array<i64: 2, 16>, scalar_prefetch = 0 : i64, scratch_operands = 6 : i64, tpu.core_type = #tpu.core_type<sc_vector_subcore>, window_params = [{transform_indices = #map}, {transform_indices = #map}]} {
    %mul3A = arith.constant 2 : i32
    %mul3A_0 = arith.muli %arg1, %mul3A : i32
    %add3A = arith.addi %mul3A_0, %arg0 : i32
    %mul3A_1 = arith.constant 1024 : i32
    %mul3A_2 = arith.muli %add3A, %mul3A_1 : i32
    %add3A_3 = arith.constant 0 : i32
    %add3A_4 = arith.addi %mul3A_2, %add3A_3 : i32
    %dma_start3A = arith.constant 0 : i32
    %dma_start3A_5 = tpu.memref_slice %arg2[%add3A_4, %dma_start3A] : memref<32768x1024xf32, #tpu.memory_space<hbm>> -> memref<32x1024xf32, #tpu.memory_space<hbm>>
    %dma_start3A_6 = arith.constant 0 : i32
    %dma_start3A_7 = tpu.memref_slice %arg2[%add3A_4, %dma_start3A_6] : memref<32768x1024xf32, #tpu.memory_space<hbm>> -> memref<32x1024xf32, #tpu.memory_space<hbm>>
    tpu.enqueue_dma source(%dma_start3A_7 : memref<32x1024xf32, #tpu.memory_space<hbm>>) target(%arg4 : memref<32x1024xf32, #tpu.memory_space<vmem>>) target_semaphore(%arg6 : memref<!tpu.dma_semaphore, #tpu.memory_space<semaphore_mem>>)
    %dma_wait3A = arith.constant 0 : i32
    %dma_wait3A_8 = tpu.memref_slice %arg2[%add3A_4, %dma_wait3A] : memref<32768x1024xf32, #tpu.memory_space<hbm>> -> memref<32x1024xf32, #tpu.memory_space<hbm>>
    %dma_wait3A_9 = arith.constant 0 : i32
    %dma_wait3A_10 = tpu.memref_slice %arg2[%add3A_4, %dma_wait3A_9] : memref<32768x1024xf32, #tpu.memory_space<hbm>> -> memref<32x1024xf32, #tpu.memory_space<hbm>>
    tpu.wait_dma2 semaphore(%arg6 : memref<!tpu.dma_semaphore, #tpu.memory_space<semaphore_mem>>) src(%dma_wait3A_10 : memref<32x1024xf32, #tpu.memory_space<hbm>>) dst(%arg4 : memref<32x1024xf32, #tpu.memory_space<vmem>>)
    %add3A_11 = arith.constant 0 : i32
    %add3A_12 = arith.addi %mul3A_2, %add3A_11 : i32
    %dma_start3A_13 = arith.constant 0 : i32
    %dma_start3A_14 = tpu.memref_slice %arg3[%add3A_12, %dma_start3A_13] : memref<32768x1024xf32, #tpu.memory_space<hbm>> -> memref<32x1024xf32, #tpu.memory_space<hbm>>
    %dma_start3A_15 = arith.constant 0 : i32
    %dma_start3A_16 = tpu.memref_slice %arg3[%add3A_12, %dma_start3A_15] : memref<32768x1024xf32, #tpu.memory_space<hbm>> -> memref<32x1024xf32, #tpu.memory_space<hbm>>
    tpu.enqueue_dma source(%arg4 : memref<32x1024xf32, #tpu.memory_space<vmem>>) target(%dma_start3A_16 : memref<32x1024xf32, #tpu.memory_space<hbm>>) target_semaphore(%arg8 : memref<!tpu.dma_semaphore, #tpu.memory_space<semaphore_mem>>)
    %add3A_17 = arith.constant 32 : i32
    %add3A_18 = arith.addi %mul3A_2, %add3A_17 : i32
    %dma_start3A_19 = arith.constant 0 : i32
    %dma_start3A_20 = tpu.memref_slice %arg2[%add3A_18, %dma_start3A_19] : memref<32768x1024xf32, #tpu.memory_space<hbm>> -> memref<32x1024xf32, #tpu.memory_space<hbm>>
    %dma_start3A_21 = arith.constant 0 : i32
    %dma_start3A_22 = tpu.memref_slice %arg2[%add3A_18, %dma_start3A_21] : memref<32768x1024xf32, #tpu.memory_space<hbm>> -> memref<32x1024xf32, #tpu.memory_space<hbm>>
    tpu.enqueue_dma source(%dma_start3A_22 : memref<32x1024xf32, #tpu.memory_space<hbm>>) target(%arg5 : memref<32x1024xf32, #tpu.memory_space<vmem>>) target_semaphore(%arg7 : memref<!tpu.dma_semaphore, #tpu.memory_space<semaphore_mem>>)
    %dma_wait3A_23 = arith.constant 0 : i32
    %dma_wait3A_24 = tpu.memref_slice %arg2[%add3A_18, %dma_wait3A_23] : memref<32768x1024xf32, #tpu.memory_space<hbm>> -> memref<32x1024xf32, #tpu.memory_space<hbm>>
    %dma_wait3A_25 = arith.constant 0 : i32
    %dma_wait3A_26 = tpu.memref_slice %arg2[%add3A_18, %dma_wait3A_25] : memref<32768x1024xf32, #tpu.memory_space<hbm>> -> memref<32x1024xf32, #tpu.memory_space<hbm>>
    tpu.wait_dma2 semaphore(%arg7 : memref<!tpu.dma_semaphore, #tpu.memory_space<semaphore_mem>>) src(%dma_wait3A_26 : memref<32x1024xf32, #tpu.memory_space<hbm>>) dst(%arg5 : memref<32x1024xf32, #tpu.memory_space<vmem>>)
    %add3A_27 = arith.constant 32 : i32
    %add3A_28 = arith.addi %mul3A_2, %add3A_27 : i32
    %dma_start3A_29 = arith.constant 0 : i32
    %dma_start3A_30 = tpu.memref_slice %arg3[%add3A_28, %dma_start3A_29] : memref<32768x1024xf32, #tpu.memory_space<hbm>> -> memref<32x1024xf32, #tpu.memory_space<hbm>>
    %dma_start3A_31 = arith.constant 0 : i32
    %dma_start3A_32 = tpu.memref_slice %arg3[%add3A_28, %dma_start3A_31] : memref<32768x1024xf32, #tpu.memory_space<hbm>> -> memref<32x1024xf32, #tpu.memory_space<hbm>>
    tpu.enqueue_dma source(%arg5 : memref<32x1024xf32, #tpu.memory_space<vmem>>) target(%dma_start3A_32 : memref<32x1024xf32, #tpu.memory_space<hbm>>) target_semaphore(%arg9 : memref<!tpu.dma_semaphore, #tpu.memory_space<semaphore_mem>>)
    %dma_wait3A_33 = arith.constant 0 : i32
    %dma_wait3A_34 = tpu.memref_slice %arg3[%add3A_12, %dma_wait3A_33] : memref<32768x1024xf32, #tpu.memory_space<hbm>> -> memref<32x1024xf32, #tpu.memory_space<hbm>>
    %dma_wait3A_35 = arith.constant 0 : i32
    %dma_wait3A_36 = tpu.memref_slice %arg3[%add3A_12, %dma_wait3A_35] : memref<32768x1024xf32, #tpu.memory_space<hbm>> -> memref<32x1024xf32, #tpu.memory_space<hbm>>
    tpu.wait_dma2 semaphore(%arg8 : memref<!tpu.dma_semaphore, #tpu.memory_space<semaphore_mem>>) src(%arg4 : memref<32x1024xf32, #tpu.memory_space<vmem>>) dst(%dma_wait3A_36 : memref<32x1024xf32, #tpu.memory_space<hbm>>)
    %add3A_37 = arith.constant 64 : i32
    %add3A_38 = arith.addi %mul3A_2, %add3A_37 : i32
    %dma_start3A_39 = arith.constant 0 : i32
    %dma_start3A_40 = tpu.memref_slice %arg2[%add3A_38, %dma_start3A_39] : memref<32768x1024xf32, #tpu.memory_space<hbm>> -> memref<32x1024xf32, #tpu.memory_space<hbm>>
    %dma_start3A_41 = arith.constant 0 : i32
    %dma_start3A_42 = tpu.memref_slice %arg2[%add3A_38, %dma_start3A_41] : memref<32768x1024xf32, #tpu.memory_space<hbm>> -> memref<32x1024xf32, #tpu.memory_space<hbm>>
    tpu.enqueue_dma source(%dma_start3A_42 : memref<32x1024xf32, #tpu.memory_space<hbm>>) target(%arg4 : memref<32x1024xf32, #tpu.memory_space<vmem>>) target_semaphore(%arg6 : memref<!tpu.dma_semaphore, #tpu.memory_space<semaphore_mem>>)
    %dma_wait3A_43 = arith.constant 0 : i32
    %dma_wait3A_44 = tpu.memref_slice %arg2[%add3A_38, %dma_wait3A_43] : memref<32768x1024xf32, #tpu.memory_space<hbm>> -> memref<32x1024xf32, #tpu.memory_space<hbm>>
    %dma_wait3A_45 = arith.constant 0 : i32
    %dma_wait3A_46 = tpu.memref_slice %arg2[%add3A_38, %dma_wait3A_45] : memref<32768x1024xf32, #tpu.memory_space<hbm>> -> memref<32x1024xf32, #tpu.memory_space<hbm>>
    tpu.wait_dma2 semaphore(%arg6 : memref<!tpu.dma_semaphore, #tpu.memory_space<semaphore_mem>>) src(%dma_wait3A_46 : memref<32x1024xf32, #tpu.memory_space<hbm>>) dst(%arg4 : memref<32x1024xf32, #tpu.memory_space<vmem>>)
    %add3A_47 = arith.constant 64 : i32
    %add3A_48 = arith.addi %mul3A_2, %add3A_47 : i32
    %dma_start3A_49 = arith.constant 0 : i32
    %dma_start3A_50 = tpu.memref_slice %arg3[%add3A_48, %dma_start3A_49] : memref<32768x1024xf32, #tpu.memory_space<hbm>> -> memref<32x1024xf32, #tpu.memory_space<hbm>>
    %dma_start3A_51 = arith.constant 0 : i32
    %dma_start3A_52 = tpu.memref_slice %arg3[%add3A_48, %dma_start3A_51] : memref<32768x1024xf32, #tpu.memory_space<hbm>> -> memref<32x1024xf32, #tpu.memory_space<hbm>>
    tpu.enqueue_dma source(%arg4 : memref<32x1024xf32, #tpu.memory_space<vmem>>) target(%dma_start3A_52 : memref<32x1024xf32, #tpu.memory_space<hbm>>) target_semaphore(%arg8 : memref<!tpu.dma_semaphore, #tpu.memory_space<semaphore_mem>>)
    %dma_wait3A_53 = arith.constant 0 : i32
    %dma_wait3A_54 = tpu.memref_slice %arg3[%add3A_28, %dma_wait3A_53] : memref<32768x1024xf32, #tpu.memory_space<hbm>> -> memref<32x1024xf32, #tpu.memory_space<hbm>>
    %dma_wait3A_55 = arith.constant 0 : i32
    %dma_wait3A_56 = tpu.memref_slice %arg3[%add3A_28, %dma_wait3A_55] : memref<32768x1024xf32, #tpu.memory_space<hbm>> -> memref<32x1024xf32, #tpu.memory_space<hbm>>
    tpu.wait_dma2 semaphore(%arg9 : memref<!tpu.dma_semaphore, #tpu.memory_space<semaphore_mem>>) src(%arg5 : memref<32x1024xf32, #tpu.memory_space<vmem>>) dst(%dma_wait3A_56 : memref<32x1024xf32, #tpu.memory_space<hbm>>)
    %add3A_57 = arith.constant 96 : i32
    %add3A_58 = arith.addi %mul3A_2, %add3A_57 : i32
    %dma_start3A_59 = arith.constant 0 : i32
    %dma_start3A_60 = tpu.memref_slice %arg2[%add3A_58, %dma_start3A_59] : memref<32768x1024xf32, #tpu.memory_space<hbm>> -> memref<32x1024xf32, #tpu.memory_space<hbm>>
    %dma_start3A_61 = arith.constant 0 : i32
    %dma_start3A_62 = tpu.memref_slice %arg2[%add3A_58, %dma_start3A_61] : memref<32768x1024xf32, #tpu.memory_space<hbm>> -> memref<32x1024xf32, #tpu.memory_space<hbm>>
    tpu.enqueue_dma source(%dma_start3A_62 : memref<32x1024xf32, #tpu.memory_space<hbm>>) target(%arg5 : memref<32x1024xf32, #tpu.memory_space<vmem>>) target_semaphore(%arg7 : memref<!tpu.dma_semaphore, #tpu.memory_space<semaphore_mem>>)
    %dma_wait3A_63 = arith.constant 0 : i32
    %dma_wait3A_64 = tpu.memref_slice %arg2[%add3A_58, %dma_wait3A_63] : memref<32768x1024xf32, #tpu.memory_space<hbm>> -> memref<32x1024xf32, #tpu.memory_space<hbm>>
    %dma_wait3A_65 = arith.constant 0 : i32
    %dma_wait3A_66 = tpu.memref_slice %arg2[%add3A_58, %dma_wait3A_65] : memref<32768x1024xf32, #tpu.memory_space<hbm>> -> memref<32x1024xf32, #tpu.memory_space<hbm>>
    tpu.wait_dma2 semaphore(%arg7 : memref<!tpu.dma_semaphore, #tpu.memory_space<semaphore_mem>>) src(%dma_wait3A_66 : memref<32x1024xf32, #tpu.memory_space<hbm>>) dst(%arg5 : memref<32x1024xf32, #tpu.memory_space<vmem>>)
    %add3A_67 = arith.constant 96 : i32
    %add3A_68 = arith.addi %mul3A_2, %add3A_67 : i32
    %dma_start3A_69 = arith.constant 0 : i32
    %dma_start3A_70 = tpu.memref_slice %arg3[%add3A_68, %dma_start3A_69] : memref<32768x1024xf32, #tpu.memory_space<hbm>> -> memref<32x1024xf32, #tpu.memory_space<hbm>>
    %dma_start3A_71 = arith.constant 0 : i32
    %dma_start3A_72 = tpu.memref_slice %arg3[%add3A_68, %dma_start3A_71] : memref<32768x1024xf32, #tpu.memory_space<hbm>> -> memref<32x1024xf32, #tpu.memory_space<hbm>>
    tpu.enqueue_dma source(%arg5 : memref<32x1024xf32, #tpu.memory_space<vmem>>) target(%dma_start3A_72 : memref<32x1024xf32, #tpu.memory_space<hbm>>) target_semaphore(%arg9 : memref<!tpu.dma_semaphore, #tpu.memory_space<semaphore_mem>>)
    %dma_wait3A_73 = arith.constant 0 : i32
    %dma_wait3A_74 = tpu.memref_slice %arg3[%add3A_48, %dma_wait3A_73] : memref<32768x1024xf32, #tpu.memory_space<hbm>> -> memref<32x1024xf32, #tpu.memory_space<hbm>>
    %dma_wait3A_75 = arith.constant 0 : i32
    %dma_wait3A_76 = tpu.memref_slice %arg3[%add3A_48, %dma_wait3A_75] : memref<32768x1024xf32, #tpu.memory_space<hbm>> -> memref<32x1024xf32, #tpu.memory_space<hbm>>
    tpu.wait_dma2 semaphore(%arg8 : memref<!tpu.dma_semaphore, #tpu.memory_space<semaphore_mem>>) src(%arg4 : memref<32x1024xf32, #tpu.memory_space<vmem>>) dst(%dma_wait3A_76 : memref<32x1024xf32, #tpu.memory_space<hbm>>)
    %add3A_77 = arith.constant 128 : i32
    %add3A_78 = arith.addi %mul3A_2, %add3A_77 : i32
    %dma_start3A_79 = arith.constant 0 : i32
    %dma_start3A_80 = tpu.memref_slice %arg2[%add3A_78, %dma_start3A_79] : memref<32768x1024xf32, #tpu.memory_space<hbm>> -> memref<32x1024xf32, #tpu.memory_space<hbm>>
    %dma_start3A_81 = arith.constant 0 : i32
    %dma_start3A_82 = tpu.memref_slice %arg2[%add3A_78, %dma_start3A_81] : memref<32768x1024xf32, #tpu.memory_space<hbm>> -> memref<32x1024xf32, #tpu.memory_space<hbm>>
    tpu.enqueue_dma source(%dma_start3A_82 : memref<32x1024xf32, #tpu.memory_space<hbm>>) target(%arg4 : memref<32x1024xf32, #tpu.memory_space<vmem>>) target_semaphore(%arg6 : memref<!tpu.dma_semaphore, #tpu.memory_space<semaphore_mem>>)
    %dma_wait3A_83 = arith.constant 0 : i32
    %dma_wait3A_84 = tpu.memref_slice %arg2[%add3A_78, %dma_wait3A_83] : memref<32768x1024xf32, #tpu.memory_space<hbm>> -> memref<32x1024xf32, #tpu.memory_space<hbm>>
    %dma_wait3A_85 = arith.constant 0 : i32
    %dma_wait3A_86 = tpu.memref_slice %arg2[%add3A_78, %dma_wait3A_85] : memref<32768x1024xf32, #tpu.memory_space<hbm>> -> memref<32x1024xf32, #tpu.memory_space<hbm>>
    tpu.wait_dma2 semaphore(%arg6 : memref<!tpu.dma_semaphore, #tpu.memory_space<semaphore_mem>>) src(%dma_wait3A_86 : memref<32x1024xf32, #tpu.memory_space<hbm>>) dst(%arg4 : memref<32x1024xf32, #tpu.memory_space<vmem>>)
    %add3A_87 = arith.constant 128 : i32
    %add3A_88 = arith.addi %mul3A_2, %add3A_87 : i32
    %dma_start3A_89 = arith.constant 0 : i32
    %dma_start3A_90 = tpu.memref_slice %arg3[%add3A_88, %dma_start3A_89] : memref<32768x1024xf32, #tpu.memory_space<hbm>> -> memref<32x1024xf32, #tpu.memory_space<hbm>>
    %dma_start3A_91 = arith.constant 0 : i32
    %dma_start3A_92 = tpu.memref_slice %arg3[%add3A_88, %dma_start3A_91] : memref<32768x1024xf32, #tpu.memory_space<hbm>> -> memref<32x1024xf32, #tpu.memory_space<hbm>>
    tpu.enqueue_dma source(%arg4 : memref<32x1024xf32, #tpu.memory_space<vmem>>) target(%dma_start3A_92 : memref<32x1024xf32, #tpu.memory_space<hbm>>) target_semaphore(%arg8 : memref<!tpu.dma_semaphore, #tpu.memory_space<semaphore_mem>>)
    %dma_wait3A_93 = arith.constant 0 : i32
    %dma_wait3A_94 = tpu.memref_slice %arg3[%add3A_68, %dma_wait3A_93] : memref<32768x1024xf32, #tpu.memory_space<hbm>> -> memref<32x1024xf32, #tpu.memory_space<hbm>>
    %dma_wait3A_95 = arith.constant 0 : i32
    %dma_wait3A_96 = tpu.memref_slice %arg3[%add3A_68, %dma_wait3A_95] : memref<32768x1024xf32, #tpu.memory_space<hbm>> -> memref<32x1024xf32, #tpu.memory_space<hbm>>
    tpu.wait_dma2 semaphore(%arg9 : memref<!tpu.dma_semaphore, #tpu.memory_space<semaphore_mem>>) src(%arg5 : memref<32x1024xf32, #tpu.memory_space<vmem>>) dst(%dma_wait3A_96 : memref<32x1024xf32, #tpu.memory_space<hbm>>)
    %add3A_97 = arith.constant 160 : i32
    %add3A_98 = arith.addi %mul3A_2, %add3A_97 : i32
    %dma_start3A_99 = arith.constant 0 : i32
    %dma_start3A_100 = tpu.memref_slice %arg2[%add3A_98, %dma_start3A_99] : memref<32768x1024xf32, #tpu.memory_space<hbm>> -> memref<32x1024xf32, #tpu.memory_space<hbm>>
    %dma_start3A_101 = arith.constant 0 : i32
    %dma_start3A_102 = tpu.memref_slice %arg2[%add3A_98, %dma_start3A_101] : memref<32768x1024xf32, #tpu.memory_space<hbm>> -> memref<32x1024xf32, #tpu.memory_space<hbm>>
    tpu.enqueue_dma source(%dma_start3A_102 : memref<32x1024xf32, #tpu.memory_space<hbm>>) target(%arg5 : memref<32x1024xf32, #tpu.memory_space<vmem>>) target_semaphore(%arg7 : memref<!tpu.dma_semaphore, #tpu.memory_space<semaphore_mem>>)
    %dma_wait3A_103 = arith.constant 0 : i32
    %dma_wait3A_104 = tpu.memref_slice %arg2[%add3A_98, %dma_wait3A_103] : memref<32768x1024xf32, #tpu.memory_space<hbm>> -> memref<32x1024xf32, #tpu.memory_space<hbm>>
    %dma_wait3A_105 = arith.constant 0 : i32
    %dma_wait3A_106 = tpu.memref_slice %arg2[%add3A_98, %dma_wait3A_105] : memref<32768x1024xf32, #tpu.memory_space<hbm>> -> memref<32x1024xf32, #tpu.memory_space<hbm>>
    tpu.wait_dma2 semaphore(%arg7 : memref<!tpu.dma_semaphore, #tpu.memory_space<semaphore_mem>>) src(%dma_wait3A_106 : memref<32x1024xf32, #tpu.memory_space<hbm>>) dst(%arg5 : memref<32x1024xf32, #tpu.memory_space<vmem>>)
    %add3A_107 = arith.constant 160 : i32
    %add3A_108 = arith.addi %mul3A_2, %add3A_107 : i32
    %dma_start3A_109 = arith.constant 0 : i32
    %dma_start3A_110 = tpu.memref_slice %arg3[%add3A_108, %dma_start3A_109] : memref<32768x1024xf32, #tpu.memory_space<hbm>> -> memref<32x1024xf32, #tpu.memory_space<hbm>>
    %dma_start3A_111 = arith.constant 0 : i32
    %dma_start3A_112 = tpu.memref_slice %arg3[%add3A_108, %dma_start3A_111] : memref<32768x1024xf32, #tpu.memory_space<hbm>> -> memref<32x1024xf32, #tpu.memory_space<hbm>>
    tpu.enqueue_dma source(%arg5 : memref<32x1024xf32, #tpu.memory_space<vmem>>) target(%dma_start3A_112 : memref<32x1024xf32, #tpu.memory_space<hbm>>) target_semaphore(%arg9 : memref<!tpu.dma_semaphore, #tpu.memory_space<semaphore_mem>>)
    %dma_wait3A_113 = arith.constant 0 : i32
    %dma_wait3A_114 = tpu.memref_slice %arg3[%add3A_88, %dma_wait3A_113] : memref<32768x1024xf32, #tpu.memory_space<hbm>> -> memref<32x1024xf32, #tpu.memory_space<hbm>>
    %dma_wait3A_115 = arith.constant 0 : i32
    %dma_wait3A_116 = tpu.memref_slice %arg3[%add3A_88, %dma_wait3A_115] : memref<32768x1024xf32, #tpu.memory_space<hbm>> -> memref<32x1024xf32, #tpu.memory_space<hbm>>
    tpu.wait_dma2 semaphore(%arg8 : memref<!tpu.dma_semaphore, #tpu.memory_space<semaphore_mem>>) src(%arg4 : memref<32x1024xf32, #tpu.memory_space<vmem>>) dst(%dma_wait3A_116 : memref<32x1024xf32, #tpu.memory_space<hbm>>)
    %add3A_117 = arith.constant 192 : i32
    %add3A_118 = arith.addi %mul3A_2, %add3A_117 : i32
    %dma_start3A_119 = arith.constant 0 : i32
    %dma_start3A_120 = tpu.memref_slice %arg2[%add3A_118, %dma_start3A_119] : memref<32768x1024xf32, #tpu.memory_space<hbm>> -> memref<32x1024xf32, #tpu.memory_space<hbm>>
    %dma_start3A_121 = arith.constant 0 : i32
    %dma_start3A_122 = tpu.memref_slice %arg2[%add3A_118, %dma_start3A_121] : memref<32768x1024xf32, #tpu.memory_space<hbm>> -> memref<32x1024xf32, #tpu.memory_space<hbm>>
    tpu.enqueue_dma source(%dma_start3A_122 : memref<32x1024xf32, #tpu.memory_space<hbm>>) target(%arg4 : memref<32x1024xf32, #tpu.memory_space<vmem>>) target_semaphore(%arg6 : memref<!tpu.dma_semaphore, #tpu.memory_space<semaphore_mem>>)
    %dma_wait3A_123 = arith.constant 0 : i32
    %dma_wait3A_124 = tpu.memref_slice %arg2[%add3A_118, %dma_wait3A_123] : memref<32768x1024xf32, #tpu.memory_space<hbm>> -> memref<32x1024xf32, #tpu.memory_space<hbm>>
    %dma_wait3A_125 = arith.constant 0 : i32
    %dma_wait3A_126 = tpu.memref_slice %arg2[%add3A_118, %dma_wait3A_125] : memref<32768x1024xf32, #tpu.memory_space<hbm>> -> memref<32x1024xf32, #tpu.memory_space<hbm>>
    tpu.wait_dma2 semaphore(%arg6 : memref<!tpu.dma_semaphore, #tpu.memory_space<semaphore_mem>>) src(%dma_wait3A_126 : memref<32x1024xf32, #tpu.memory_space<hbm>>) dst(%arg4 : memref<32x1024xf32, #tpu.memory_space<vmem>>)
    %add3A_127 = arith.constant 192 : i32
    %add3A_128 = arith.addi %mul3A_2, %add3A_127 : i32
    %dma_start3A_129 = arith.constant 0 : i32
    %dma_start3A_130 = tpu.memref_slice %arg3[%add3A_128, %dma_start3A_129] : memref<32768x1024xf32, #tpu.memory_space<hbm>> -> memref<32x1024xf32, #tpu.memory_space<hbm>>
    %dma_start3A_131 = arith.constant 0 : i32
    %dma_start3A_132 = tpu.memref_slice %arg3[%add3A_128, %dma_start3A_131] : memref<32768x1024xf32, #tpu.memory_space<hbm>> -> memref<32x1024xf32, #tpu.memory_space<hbm>>
    tpu.enqueue_dma source(%arg4 : memref<32x1024xf32, #tpu.memory_space<vmem>>) target(%dma_start3A_132 : memref<32x1024xf32, #tpu.memory_space<hbm>>) target_semaphore(%arg8 : memref<!tpu.dma_semaphore, #tpu.memory_space<semaphore_mem>>)
    %dma_wait3A_133 = arith.constant 0 : i32
    %dma_wait3A_134 = tpu.memref_slice %arg3[%add3A_108, %dma_wait3A_133] : memref<32768x1024xf32, #tpu.memory_space<hbm>> -> memref<32x1024xf32, #tpu.memory_space<hbm>>
    %dma_wait3A_135 = arith.constant 0 : i32
    %dma_wait3A_136 = tpu.memref_slice %arg3[%add3A_108, %dma_wait3A_135] : memref<32768x1024xf32, #tpu.memory_space<hbm>> -> memref<32x1024xf32, #tpu.memory_space<hbm>>
    tpu.wait_dma2 semaphore(%arg9 : memref<!tpu.dma_semaphore, #tpu.memory_space<semaphore_mem>>) src(%arg5 : memref<32x1024xf32, #tpu.memory_space<vmem>>) dst(%dma_wait3A_136 : memref<32x1024xf32, #tpu.memory_space<hbm>>)
    %add3A_137 = arith.constant 224 : i32
    %add3A_138 = arith.addi %mul3A_2, %add3A_137 : i32
    %dma_start3A_139 = arith.constant 0 : i32
    %dma_start3A_140 = tpu.memref_slice %arg2[%add3A_138, %dma_start3A_139] : memref<32768x1024xf32, #tpu.memory_space<hbm>> -> memref<32x1024xf32, #tpu.memory_space<hbm>>
    %dma_start3A_141 = arith.constant 0 : i32
    %dma_start3A_142 = tpu.memref_slice %arg2[%add3A_138, %dma_start3A_141] : memref<32768x1024xf32, #tpu.memory_space<hbm>> -> memref<32x1024xf32, #tpu.memory_space<hbm>>
    tpu.enqueue_dma source(%dma_start3A_142 : memref<32x1024xf32, #tpu.memory_space<hbm>>) target(%arg5 : memref<32x1024xf32, #tpu.memory_space<vmem>>) target_semaphore(%arg7 : memref<!tpu.dma_semaphore, #tpu.memory_space<semaphore_mem>>)
    %dma_wait3A_143 = arith.constant 0 : i32
    %dma_wait3A_144 = tpu.memref_slice %arg2[%add3A_138, %dma_wait3A_143] : memref<32768x1024xf32, #tpu.memory_space<hbm>> -> memref<32x1024xf32, #tpu.memory_space<hbm>>
    %dma_wait3A_145 = arith.constant 0 : i32
    %dma_wait3A_146 = tpu.memref_slice %arg2[%add3A_138, %dma_wait3A_145] : memref<32768x1024xf32, #tpu.memory_space<hbm>> -> memref<32x1024xf32, #tpu.memory_space<hbm>>
    tpu.wait_dma2 semaphore(%arg7 : memref<!tpu.dma_semaphore, #tpu.memory_space<semaphore_mem>>) src(%dma_wait3A_146 : memref<32x1024xf32, #tpu.memory_space<hbm>>) dst(%arg5 : memref<32x1024xf32, #tpu.memory_space<vmem>>)
    %add3A_147 = arith.constant 224 : i32
    %add3A_148 = arith.addi %mul3A_2, %add3A_147 : i32
    %dma_start3A_149 = arith.constant 0 : i32
    %dma_start3A_150 = tpu.memref_slice %arg3[%add3A_148, %dma_start3A_149] : memref<32768x1024xf32, #tpu.memory_space<hbm>> -> memref<32x1024xf32, #tpu.memory_space<hbm>>
    %dma_start3A_151 = arith.constant 0 : i32
    %dma_start3A_152 = tpu.memref_slice %arg3[%add3A_148, %dma_start3A_151] : memref<32768x1024xf32, #tpu.memory_space<hbm>> -> memref<32x1024xf32, #tpu.memory_space<hbm>>
    tpu.enqueue_dma source(%arg5 : memref<32x1024xf32, #tpu.memory_space<vmem>>) target(%dma_start3A_152 : memref<32x1024xf32, #tpu.memory_space<hbm>>) target_semaphore(%arg9 : memref<!tpu.dma_semaphore, #tpu.memory_space<semaphore_mem>>)
    %dma_wait3A_153 = arith.constant 0 : i32
    %dma_wait3A_154 = tpu.memref_slice %arg3[%add3A_128, %dma_wait3A_153] : memref<32768x1024xf32, #tpu.memory_space<hbm>> -> memref<32x1024xf32, #tpu.memory_space<hbm>>
    %dma_wait3A_155 = arith.constant 0 : i32
    %dma_wait3A_156 = tpu.memref_slice %arg3[%add3A_128, %dma_wait3A_155] : memref<32768x1024xf32, #tpu.memory_space<hbm>> -> memref<32x1024xf32, #tpu.memory_space<hbm>>
    tpu.wait_dma2 semaphore(%arg8 : memref<!tpu.dma_semaphore, #tpu.memory_space<semaphore_mem>>) src(%arg4 : memref<32x1024xf32, #tpu.memory_space<vmem>>) dst(%dma_wait3A_156 : memref<32x1024xf32, #tpu.memory_space<hbm>>)
    %add3A_157 = arith.constant 256 : i32
    %add3A_158 = arith.addi %mul3A_2, %add3A_157 : i32
    %dma_start3A_159 = arith.constant 0 : i32
    %dma_start3A_160 = tpu.memref_slice %arg2[%add3A_158, %dma_start3A_159] : memref<32768x1024xf32, #tpu.memory_space<hbm>> -> memref<32x1024xf32, #tpu.memory_space<hbm>>
    %dma_start3A_161 = arith.constant 0 : i32
    %dma_start3A_162 = tpu.memref_slice %arg2[%add3A_158, %dma_start3A_161] : memref<32768x1024xf32, #tpu.memory_space<hbm>> -> memref<32x1024xf32, #tpu.memory_space<hbm>>
    tpu.enqueue_dma source(%dma_start3A_162 : memref<32x1024xf32, #tpu.memory_space<hbm>>) target(%arg4 : memref<32x1024xf32, #tpu.memory_space<vmem>>) target_semaphore(%arg6 : memref<!tpu.dma_semaphore, #tpu.memory_space<semaphore_mem>>)
    %dma_wait3A_163 = arith.constant 0 : i32
    %dma_wait3A_164 = tpu.memref_slice %arg2[%add3A_158, %dma_wait3A_163] : memref<32768x1024xf32, #tpu.memory_space<hbm>> -> memref<32x1024xf32, #tpu.memory_space<hbm>>
    %dma_wait3A_165 = arith.constant 0 : i32
    %dma_wait3A_166 = tpu.memref_slice %arg2[%add3A_158, %dma_wait3A_165] : memref<32768x1024xf32, #tpu.memory_space<hbm>> -> memref<32x1024xf32, #tpu.memory_space<hbm>>
    tpu.wait_dma2 semaphore(%arg6 : memref<!tpu.dma_semaphore, #tpu.memory_space<semaphore_mem>>) src(%dma_wait3A_166 : memref<32x1024xf32, #tpu.memory_space<hbm>>) dst(%arg4 : memref<32x1024xf32, #tpu.memory_space<vmem>>)
    %add3A_167 = arith.constant 256 : i32
    %add3A_168 = arith.addi %mul3A_2, %add3A_167 : i32
    %dma_start3A_169 = arith.constant 0 : i32
    %dma_start3A_170 = tpu.memref_slice %arg3[%add3A_168, %dma_start3A_169] : memref<32768x1024xf32, #tpu.memory_space<hbm>> -> memref<32x1024xf32, #tpu.memory_space<hbm>>
    %dma_start3A_171 = arith.constant 0 : i32
    %dma_start3A_172 = tpu.memref_slice %arg3[%add3A_168, %dma_start3A_171] : memref<32768x1024xf32, #tpu.memory_space<hbm>> -> memref<32x1024xf32, #tpu.memory_space<hbm>>
    tpu.enqueue_dma source(%arg4 : memref<32x1024xf32, #tpu.memory_space<vmem>>) target(%dma_start3A_172 : memref<32x1024xf32, #tpu.memory_space<hbm>>) target_semaphore(%arg8 : memref<!tpu.dma_semaphore, #tpu.memory_space<semaphore_mem>>)
    %dma_wait3A_173 = arith.constant 0 : i32
    %dma_wait3A_174 = tpu.memref_slice %arg3[%add3A_148, %dma_wait3A_173] : memref<32768x1024xf32, #tpu.memory_space<hbm>> -> memref<32x1024xf32, #tpu.memory_space<hbm>>
    %dma_wait3A_175 = arith.constant 0 : i32
    %dma_wait3A_176 = tpu.memref_slice %arg3[%add3A_148, %dma_wait3A_175] : memref<32768x1024xf32, #tpu.memory_space<hbm>> -> memref<32x1024xf32, #tpu.memory_space<hbm>>
    tpu.wait_dma2 semaphore(%arg9 : memref<!tpu.dma_semaphore, #tpu.memory_space<semaphore_mem>>) src(%arg5 : memref<32x1024xf32, #tpu.memory_space<vmem>>) dst(%dma_wait3A_176 : memref<32x1024xf32, #tpu.memory_space<hbm>>)
    %add3A_177 = arith.constant 288 : i32
    %add3A_178 = arith.addi %mul3A_2, %add3A_177 : i32
    %dma_start3A_179 = arith.constant 0 : i32
    %dma_start3A_180 = tpu.memref_slice %arg2[%add3A_178, %dma_start3A_179] : memref<32768x1024xf32, #tpu.memory_space<hbm>> -> memref<32x1024xf32, #tpu.memory_space<hbm>>
    %dma_start3A_181 = arith.constant 0 : i32
    %dma_start3A_182 = tpu.memref_slice %arg2[%add3A_178, %dma_start3A_181] : memref<32768x1024xf32, #tpu.memory_space<hbm>> -> memref<32x1024xf32, #tpu.memory_space<hbm>>
    tpu.enqueue_dma source(%dma_start3A_182 : memref<32x1024xf32, #tpu.memory_space<hbm>>) target(%arg5 : memref<32x1024xf32, #tpu.memory_space<vmem>>) target_semaphore(%arg7 : memref<!tpu.dma_semaphore, #tpu.memory_space<semaphore_mem>>)
    %dma_wait3A_183 = arith.constant 0 : i32
    %dma_wait3A_184 = tpu.memref_slice %arg2[%add3A_178, %dma_wait3A_183] : memref<32768x1024xf32, #tpu.memory_space<hbm>> -> memref<32x1024xf32, #tpu.memory_space<hbm>>
    %dma_wait3A_185 = arith.constant 0 : i32
    %dma_wait3A_186 = tpu.memref_slice %arg2[%add3A_178, %dma_wait3A_185] : memref<32768x1024xf32, #tpu.memory_space<hbm>> -> memref<32x1024xf32, #tpu.memory_space<hbm>>
    tpu.wait_dma2 semaphore(%arg7 : memref<!tpu.dma_semaphore, #tpu.memory_space<semaphore_mem>>) src(%dma_wait3A_186 : memref<32x1024xf32, #tpu.memory_space<hbm>>) dst(%arg5 : memref<32x1024xf32, #tpu.memory_space<vmem>>)
    %add3A_187 = arith.constant 288 : i32
    %add3A_188 = arith.addi %mul3A_2, %add3A_187 : i32
    %dma_start3A_189 = arith.constant 0 : i32
    %dma_start3A_190 = tpu.memref_slice %arg3[%add3A_188, %dma_start3A_189] : memref<32768x1024xf32, #tpu.memory_space<hbm>> -> memref<32x1024xf32, #tpu.memory_space<hbm>>
    %dma_start3A_191 = arith.constant 0 : i32
    %dma_start3A_192 = tpu.memref_slice %arg3[%add3A_188, %dma_start3A_191] : memref<32768x1024xf32, #tpu.memory_space<hbm>> -> memref<32x1024xf32, #tpu.memory_space<hbm>>
    tpu.enqueue_dma source(%arg5 : memref<32x1024xf32, #tpu.memory_space<vmem>>) target(%dma_start3A_192 : memref<32x1024xf32, #tpu.memory_space<hbm>>) target_semaphore(%arg9 : memref<!tpu.dma_semaphore, #tpu.memory_space<semaphore_mem>>)
    %dma_wait3A_193 = arith.constant 0 : i32
    %dma_wait3A_194 = tpu.memref_slice %arg3[%add3A_168, %dma_wait3A_193] : memref<32768x1024xf32, #tpu.memory_space<hbm>> -> memref<32x1024xf32, #tpu.memory_space<hbm>>
    %dma_wait3A_195 = arith.constant 0 : i32
    %dma_wait3A_196 = tpu.memref_slice %arg3[%add3A_168, %dma_wait3A_195] : memref<32768x1024xf32, #tpu.memory_space<hbm>> -> memref<32x1024xf32, #tpu.memory_space<hbm>>
    tpu.wait_dma2 semaphore(%arg8 : memref<!tpu.dma_semaphore, #tpu.memory_space<semaphore_mem>>) src(%arg4 : memref<32x1024xf32, #tpu.memory_space<vmem>>) dst(%dma_wait3A_196 : memref<32x1024xf32, #tpu.memory_space<hbm>>)
    %add3A_197 = arith.constant 320 : i32
    %add3A_198 = arith.addi %mul3A_2, %add3A_197 : i32
    %dma_start3A_199 = arith.constant 0 : i32
    %dma_start3A_200 = tpu.memref_slice %arg2[%add3A_198, %dma_start3A_199] : memref<32768x1024xf32, #tpu.memory_space<hbm>> -> memref<32x1024xf32, #tpu.memory_space<hbm>>
    %dma_start3A_201 = arith.constant 0 : i32
    %dma_start3A_202 = tpu.memref_slice %arg2[%add3A_198, %dma_start3A_201] : memref<32768x1024xf32, #tpu.memory_space<hbm>> -> memref<32x1024xf32, #tpu.memory_space<hbm>>
    tpu.enqueue_dma source(%dma_start3A_202 : memref<32x1024xf32, #tpu.memory_space<hbm>>) target(%arg4 : memref<32x1024xf32, #tpu.memory_space<vmem>>) target_semaphore(%arg6 : memref<!tpu.dma_semaphore, #tpu.memory_space<semaphore_mem>>)
    %dma_wait3A_203 = arith.constant 0 : i32
    %dma_wait3A_204 = tpu.memref_slice %arg2[%add3A_198, %dma_wait3A_203] : memref<32768x1024xf32, #tpu.memory_space<hbm>> -> memref<32x1024xf32, #tpu.memory_space<hbm>>
    %dma_wait3A_205 = arith.constant 0 : i32
    %dma_wait3A_206 = tpu.memref_slice %arg2[%add3A_198, %dma_wait3A_205] : memref<32768x1024xf32, #tpu.memory_space<hbm>> -> memref<32x1024xf32, #tpu.memory_space<hbm>>
    tpu.wait_dma2 semaphore(%arg6 : memref<!tpu.dma_semaphore, #tpu.memory_space<semaphore_mem>>) src(%dma_wait3A_206 : memref<32x1024xf32, #tpu.memory_space<hbm>>) dst(%arg4 : memref<32x1024xf32, #tpu.memory_space<vmem>>)
    %add3A_207 = arith.constant 320 : i32
    %add3A_208 = arith.addi %mul3A_2, %add3A_207 : i32
    %dma_start3A_209 = arith.constant 0 : i32
    %dma_start3A_210 = tpu.memref_slice %arg3[%add3A_208, %dma_start3A_209] : memref<32768x1024xf32, #tpu.memory_space<hbm>> -> memref<32x1024xf32, #tpu.memory_space<hbm>>
    %dma_start3A_211 = arith.constant 0 : i32
    %dma_start3A_212 = tpu.memref_slice %arg3[%add3A_208, %dma_start3A_211] : memref<32768x1024xf32, #tpu.memory_space<hbm>> -> memref<32x1024xf32, #tpu.memory_space<hbm>>
    tpu.enqueue_dma source(%arg4 : memref<32x1024xf32, #tpu.memory_space<vmem>>) target(%dma_start3A_212 : memref<32x1024xf32, #tpu.memory_space<hbm>>) target_semaphore(%arg8 : memref<!tpu.dma_semaphore, #tpu.memory_space<semaphore_mem>>)
    %dma_wait3A_213 = arith.constant 0 : i32
    %dma_wait3A_214 = tpu.memref_slice %arg3[%add3A_188, %dma_wait3A_213] : memref<32768x1024xf32, #tpu.memory_space<hbm>> -> memref<32x1024xf32, #tpu.memory_space<hbm>>
    %dma_wait3A_215 = arith.constant 0 : i32
    %dma_wait3A_216 = tpu.memref_slice %arg3[%add3A_188, %dma_wait3A_215] : memref<32768x1024xf32, #tpu.memory_space<hbm>> -> memref<32x1024xf32, #tpu.memory_space<hbm>>
    tpu.wait_dma2 semaphore(%arg9 : memref<!tpu.dma_semaphore, #tpu.memory_space<semaphore_mem>>) src(%arg5 : memref<32x1024xf32, #tpu.memory_space<vmem>>) dst(%dma_wait3A_216 : memref<32x1024xf32, #tpu.memory_space<hbm>>)
    %add3A_217 = arith.constant 352 : i32
    %add3A_218 = arith.addi %mul3A_2, %add3A_217 : i32
    %dma_start3A_219 = arith.constant 0 : i32
    %dma_start3A_220 = tpu.memref_slice %arg2[%add3A_218, %dma_start3A_219] : memref<32768x1024xf32, #tpu.memory_space<hbm>> -> memref<32x1024xf32, #tpu.memory_space<hbm>>
    %dma_start3A_221 = arith.constant 0 : i32
    %dma_start3A_222 = tpu.memref_slice %arg2[%add3A_218, %dma_start3A_221] : memref<32768x1024xf32, #tpu.memory_space<hbm>> -> memref<32x1024xf32, #tpu.memory_space<hbm>>
    tpu.enqueue_dma source(%dma_start3A_222 : memref<32x1024xf32, #tpu.memory_space<hbm>>) target(%arg5 : memref<32x1024xf32, #tpu.memory_space<vmem>>) target_semaphore(%arg7 : memref<!tpu.dma_semaphore, #tpu.memory_space<semaphore_mem>>)
    %dma_wait3A_223 = arith.constant 0 : i32
    %dma_wait3A_224 = tpu.memref_slice %arg2[%add3A_218, %dma_wait3A_223] : memref<32768x1024xf32, #tpu.memory_space<hbm>> -> memref<32x1024xf32, #tpu.memory_space<hbm>>
    %dma_wait3A_225 = arith.constant 0 : i32
    %dma_wait3A_226 = tpu.memref_slice %arg2[%add3A_218, %dma_wait3A_225] : memref<32768x1024xf32, #tpu.memory_space<hbm>> -> memref<32x1024xf32, #tpu.memory_space<hbm>>
    tpu.wait_dma2 semaphore(%arg7 : memref<!tpu.dma_semaphore, #tpu.memory_space<semaphore_mem>>) src(%dma_wait3A_226 : memref<32x1024xf32, #tpu.memory_space<hbm>>) dst(%arg5 : memref<32x1024xf32, #tpu.memory_space<vmem>>)
    %add3A_227 = arith.constant 352 : i32
    %add3A_228 = arith.addi %mul3A_2, %add3A_227 : i32
    %dma_start3A_229 = arith.constant 0 : i32
    %dma_start3A_230 = tpu.memref_slice %arg3[%add3A_228, %dma_start3A_229] : memref<32768x1024xf32, #tpu.memory_space<hbm>> -> memref<32x1024xf32, #tpu.memory_space<hbm>>
    %dma_start3A_231 = arith.constant 0 : i32
    %dma_start3A_232 = tpu.memref_slice %arg3[%add3A_228, %dma_start3A_231] : memref<32768x1024xf32, #tpu.memory_space<hbm>> -> memref<32x1024xf32, #tpu.memory_space<hbm>>
    tpu.enqueue_dma source(%arg5 : memref<32x1024xf32, #tpu.memory_space<vmem>>) target(%dma_start3A_232 : memref<32x1024xf32, #tpu.memory_space<hbm>>) target_semaphore(%arg9 : memref<!tpu.dma_semaphore, #tpu.memory_space<semaphore_mem>>)
    %dma_wait3A_233 = arith.constant 0 : i32
    %dma_wait3A_234 = tpu.memref_slice %arg3[%add3A_208, %dma_wait3A_233] : memref<32768x1024xf32, #tpu.memory_space<hbm>> -> memref<32x1024xf32, #tpu.memory_space<hbm>>
    %dma_wait3A_235 = arith.constant 0 : i32
    %dma_wait3A_236 = tpu.memref_slice %arg3[%add3A_208, %dma_wait3A_235] : memref<32768x1024xf32, #tpu.memory_space<hbm>> -> memref<32x1024xf32, #tpu.memory_space<hbm>>
    tpu.wait_dma2 semaphore(%arg8 : memref<!tpu.dma_semaphore, #tpu.memory_space<semaphore_mem>>) src(%arg4 : memref<32x1024xf32, #tpu.memory_space<vmem>>) dst(%dma_wait3A_236 : memref<32x1024xf32, #tpu.memory_space<hbm>>)
    %add3A_237 = arith.constant 384 : i32
    %add3A_238 = arith.addi %mul3A_2, %add3A_237 : i32
    %dma_start3A_239 = arith.constant 0 : i32
    %dma_start3A_240 = tpu.memref_slice %arg2[%add3A_238, %dma_start3A_239] : memref<32768x1024xf32, #tpu.memory_space<hbm>> -> memref<32x1024xf32, #tpu.memory_space<hbm>>
    %dma_start3A_241 = arith.constant 0 : i32
    %dma_start3A_242 = tpu.memref_slice %arg2[%add3A_238, %dma_start3A_241] : memref<32768x1024xf32, #tpu.memory_space<hbm>> -> memref<32x1024xf32, #tpu.memory_space<hbm>>
    tpu.enqueue_dma source(%dma_start3A_242 : memref<32x1024xf32, #tpu.memory_space<hbm>>) target(%arg4 : memref<32x1024xf32, #tpu.memory_space<vmem>>) target_semaphore(%arg6 : memref<!tpu.dma_semaphore, #tpu.memory_space<semaphore_mem>>)
    %dma_wait3A_243 = arith.constant 0 : i32
    %dma_wait3A_244 = tpu.memref_slice %arg2[%add3A_238, %dma_wait3A_243] : memref<32768x1024xf32, #tpu.memory_space<hbm>> -> memref<32x1024xf32, #tpu.memory_space<hbm>>
    %dma_wait3A_245 = arith.constant 0 : i32
    %dma_wait3A_246 = tpu.memref_slice %arg2[%add3A_238, %dma_wait3A_245] : memref<32768x1024xf32, #tpu.memory_space<hbm>> -> memref<32x1024xf32, #tpu.memory_space<hbm>>
    tpu.wait_dma2 semaphore(%arg6 : memref<!tpu.dma_semaphore, #tpu.memory_space<semaphore_mem>>) src(%dma_wait3A_246 : memref<32x1024xf32, #tpu.memory_space<hbm>>) dst(%arg4 : memref<32x1024xf32, #tpu.memory_space<vmem>>)
    %add3A_247 = arith.constant 384 : i32
    %add3A_248 = arith.addi %mul3A_2, %add3A_247 : i32
    %dma_start3A_249 = arith.constant 0 : i32
    %dma_start3A_250 = tpu.memref_slice %arg3[%add3A_248, %dma_start3A_249] : memref<32768x1024xf32, #tpu.memory_space<hbm>> -> memref<32x1024xf32, #tpu.memory_space<hbm>>
    %dma_start3A_251 = arith.constant 0 : i32
    %dma_start3A_252 = tpu.memref_slice %arg3[%add3A_248, %dma_start3A_251] : memref<32768x1024xf32, #tpu.memory_space<hbm>> -> memref<32x1024xf32, #tpu.memory_space<hbm>>
    tpu.enqueue_dma source(%arg4 : memref<32x1024xf32, #tpu.memory_space<vmem>>) target(%dma_start3A_252 : memref<32x1024xf32, #tpu.memory_space<hbm>>) target_semaphore(%arg8 : memref<!tpu.dma_semaphore, #tpu.memory_space<semaphore_mem>>)
    %dma_wait3A_253 = arith.constant 0 : i32
    %dma_wait3A_254 = tpu.memref_slice %arg3[%add3A_228, %dma_wait3A_253] : memref<32768x1024xf32, #tpu.memory_space<hbm>> -> memref<32x1024xf32, #tpu.memory_space<hbm>>
    %dma_wait3A_255 = arith.constant 0 : i32
    %dma_wait3A_256 = tpu.memref_slice %arg3[%add3A_228, %dma_wait3A_255] : memref<32768x1024xf32, #tpu.memory_space<hbm>> -> memref<32x1024xf32, #tpu.memory_space<hbm>>
    tpu.wait_dma2 semaphore(%arg9 : memref<!tpu.dma_semaphore, #tpu.memory_space<semaphore_mem>>) src(%arg5 : memref<32x1024xf32, #tpu.memory_space<vmem>>) dst(%dma_wait3A_256 : memref<32x1024xf32, #tpu.memory_space<hbm>>)
    %add3A_257 = arith.constant 416 : i32
    %add3A_258 = arith.addi %mul3A_2, %add3A_257 : i32
    %dma_start3A_259 = arith.constant 0 : i32
    %dma_start3A_260 = tpu.memref_slice %arg2[%add3A_258, %dma_start3A_259] : memref<32768x1024xf32, #tpu.memory_space<hbm>> -> memref<32x1024xf32, #tpu.memory_space<hbm>>
    %dma_start3A_261 = arith.constant 0 : i32
    %dma_start3A_262 = tpu.memref_slice %arg2[%add3A_258, %dma_start3A_261] : memref<32768x1024xf32, #tpu.memory_space<hbm>> -> memref<32x1024xf32, #tpu.memory_space<hbm>>
    tpu.enqueue_dma source(%dma_start3A_262 : memref<32x1024xf32, #tpu.memory_space<hbm>>) target(%arg5 : memref<32x1024xf32, #tpu.memory_space<vmem>>) target_semaphore(%arg7 : memref<!tpu.dma_semaphore, #tpu.memory_space<semaphore_mem>>)
    %dma_wait3A_263 = arith.constant 0 : i32
    %dma_wait3A_264 = tpu.memref_slice %arg2[%add3A_258, %dma_wait3A_263] : memref<32768x1024xf32, #tpu.memory_space<hbm>> -> memref<32x1024xf32, #tpu.memory_space<hbm>>
    %dma_wait3A_265 = arith.constant 0 : i32
    %dma_wait3A_266 = tpu.memref_slice %arg2[%add3A_258, %dma_wait3A_265] : memref<32768x1024xf32, #tpu.memory_space<hbm>> -> memref<32x1024xf32, #tpu.memory_space<hbm>>
    tpu.wait_dma2 semaphore(%arg7 : memref<!tpu.dma_semaphore, #tpu.memory_space<semaphore_mem>>) src(%dma_wait3A_266 : memref<32x1024xf32, #tpu.memory_space<hbm>>) dst(%arg5 : memref<32x1024xf32, #tpu.memory_space<vmem>>)
    %add3A_267 = arith.constant 416 : i32
    %add3A_268 = arith.addi %mul3A_2, %add3A_267 : i32
    %dma_start3A_269 = arith.constant 0 : i32
    %dma_start3A_270 = tpu.memref_slice %arg3[%add3A_268, %dma_start3A_269] : memref<32768x1024xf32, #tpu.memory_space<hbm>> -> memref<32x1024xf32, #tpu.memory_space<hbm>>
    %dma_start3A_271 = arith.constant 0 : i32
    %dma_start3A_272 = tpu.memref_slice %arg3[%add3A_268, %dma_start3A_271] : memref<32768x1024xf32, #tpu.memory_space<hbm>> -> memref<32x1024xf32, #tpu.memory_space<hbm>>
    tpu.enqueue_dma source(%arg5 : memref<32x1024xf32, #tpu.memory_space<vmem>>) target(%dma_start3A_272 : memref<32x1024xf32, #tpu.memory_space<hbm>>) target_semaphore(%arg9 : memref<!tpu.dma_semaphore, #tpu.memory_space<semaphore_mem>>)
    %dma_wait3A_273 = arith.constant 0 : i32
    %dma_wait3A_274 = tpu.memref_slice %arg3[%add3A_248, %dma_wait3A_273] : memref<32768x1024xf32, #tpu.memory_space<hbm>> -> memref<32x1024xf32, #tpu.memory_space<hbm>>
    %dma_wait3A_275 = arith.constant 0 : i32
    %dma_wait3A_276 = tpu.memref_slice %arg3[%add3A_248, %dma_wait3A_275] : memref<32768x1024xf32, #tpu.memory_space<hbm>> -> memref<32x1024xf32, #tpu.memory_space<hbm>>
    tpu.wait_dma2 semaphore(%arg8 : memref<!tpu.dma_semaphore, #tpu.memory_space<semaphore_mem>>) src(%arg4 : memref<32x1024xf32, #tpu.memory_space<vmem>>) dst(%dma_wait3A_276 : memref<32x1024xf32, #tpu.memory_space<hbm>>)
    %add3A_277 = arith.constant 448 : i32
    %add3A_278 = arith.addi %mul3A_2, %add3A_277 : i32
    %dma_start3A_279 = arith.constant 0 : i32
    %dma_start3A_280 = tpu.memref_slice %arg2[%add3A_278, %dma_start3A_279] : memref<32768x1024xf32, #tpu.memory_space<hbm>> -> memref<32x1024xf32, #tpu.memory_space<hbm>>
    %dma_start3A_281 = arith.constant 0 : i32
    %dma_start3A_282 = tpu.memref_slice %arg2[%add3A_278, %dma_start3A_281] : memref<32768x1024xf32, #tpu.memory_space<hbm>> -> memref<32x1024xf32, #tpu.memory_space<hbm>>
    tpu.enqueue_dma source(%dma_start3A_282 : memref<32x1024xf32, #tpu.memory_space<hbm>>) target(%arg4 : memref<32x1024xf32, #tpu.memory_space<vmem>>) target_semaphore(%arg6 : memref<!tpu.dma_semaphore, #tpu.memory_space<semaphore_mem>>)
    %dma_wait3A_283 = arith.constant 0 : i32
    %dma_wait3A_284 = tpu.memref_slice %arg2[%add3A_278, %dma_wait3A_283] : memref<32768x1024xf32, #tpu.memory_space<hbm>> -> memref<32x1024xf32, #tpu.memory_space<hbm>>
    %dma_wait3A_285 = arith.constant 0 : i32
    %dma_wait3A_286 = tpu.memref_slice %arg2[%add3A_278, %dma_wait3A_285] : memref<32768x1024xf32, #tpu.memory_space<hbm>> -> memref<32x1024xf32, #tpu.memory_space<hbm>>
    tpu.wait_dma2 semaphore(%arg6 : memref<!tpu.dma_semaphore, #tpu.memory_space<semaphore_mem>>) src(%dma_wait3A_286 : memref<32x1024xf32, #tpu.memory_space<hbm>>) dst(%arg4 : memref<32x1024xf32, #tpu.memory_space<vmem>>)
    %add3A_287 = arith.constant 448 : i32
    %add3A_288 = arith.addi %mul3A_2, %add3A_287 : i32
    %dma_start3A_289 = arith.constant 0 : i32
    %dma_start3A_290 = tpu.memref_slice %arg3[%add3A_288, %dma_start3A_289] : memref<32768x1024xf32, #tpu.memory_space<hbm>> -> memref<32x1024xf32, #tpu.memory_space<hbm>>
    %dma_start3A_291 = arith.constant 0 : i32
    %dma_start3A_292 = tpu.memref_slice %arg3[%add3A_288, %dma_start3A_291] : memref<32768x1024xf32, #tpu.memory_space<hbm>> -> memref<32x1024xf32, #tpu.memory_space<hbm>>
    tpu.enqueue_dma source(%arg4 : memref<32x1024xf32, #tpu.memory_space<vmem>>) target(%dma_start3A_292 : memref<32x1024xf32, #tpu.memory_space<hbm>>) target_semaphore(%arg8 : memref<!tpu.dma_semaphore, #tpu.memory_space<semaphore_mem>>)
    %dma_wait3A_293 = arith.constant 0 : i32
    %dma_wait3A_294 = tpu.memref_slice %arg3[%add3A_268, %dma_wait3A_293] : memref<32768x1024xf32, #tpu.memory_space<hbm>> -> memref<32x1024xf32, #tpu.memory_space<hbm>>
    %dma_wait3A_295 = arith.constant 0 : i32
    %dma_wait3A_296 = tpu.memref_slice %arg3[%add3A_268, %dma_wait3A_295] : memref<32768x1024xf32, #tpu.memory_space<hbm>> -> memref<32x1024xf32, #tpu.memory_space<hbm>>
    tpu.wait_dma2 semaphore(%arg9 : memref<!tpu.dma_semaphore, #tpu.memory_space<semaphore_mem>>) src(%arg5 : memref<32x1024xf32, #tpu.memory_space<vmem>>) dst(%dma_wait3A_296 : memref<32x1024xf32, #tpu.memory_space<hbm>>)
    %add3A_297 = arith.constant 480 : i32
    %add3A_298 = arith.addi %mul3A_2, %add3A_297 : i32
    %dma_start3A_299 = arith.constant 0 : i32
    %dma_start3A_300 = tpu.memref_slice %arg2[%add3A_298, %dma_start3A_299] : memref<32768x1024xf32, #tpu.memory_space<hbm>> -> memref<32x1024xf32, #tpu.memory_space<hbm>>
    %dma_start3A_301 = arith.constant 0 : i32
    %dma_start3A_302 = tpu.memref_slice %arg2[%add3A_298, %dma_start3A_301] : memref<32768x1024xf32, #tpu.memory_space<hbm>> -> memref<32x1024xf32, #tpu.memory_space<hbm>>
    tpu.enqueue_dma source(%dma_start3A_302 : memref<32x1024xf32, #tpu.memory_space<hbm>>) target(%arg5 : memref<32x1024xf32, #tpu.memory_space<vmem>>) target_semaphore(%arg7 : memref<!tpu.dma_semaphore, #tpu.memory_space<semaphore_mem>>)
    %dma_wait3A_303 = arith.constant 0 : i32
    %dma_wait3A_304 = tpu.memref_slice %arg2[%add3A_298, %dma_wait3A_303] : memref<32768x1024xf32, #tpu.memory_space<hbm>> -> memref<32x1024xf32, #tpu.memory_space<hbm>>
    %dma_wait3A_305 = arith.constant 0 : i32
    %dma_wait3A_306 = tpu.memref_slice %arg2[%add3A_298, %dma_wait3A_305] : memref<32768x1024xf32, #tpu.memory_space<hbm>> -> memref<32x1024xf32, #tpu.memory_space<hbm>>
    tpu.wait_dma2 semaphore(%arg7 : memref<!tpu.dma_semaphore, #tpu.memory_space<semaphore_mem>>) src(%dma_wait3A_306 : memref<32x1024xf32, #tpu.memory_space<hbm>>) dst(%arg5 : memref<32x1024xf32, #tpu.memory_space<vmem>>)
    %add3A_307 = arith.constant 480 : i32
    %add3A_308 = arith.addi %mul3A_2, %add3A_307 : i32
    %dma_start3A_309 = arith.constant 0 : i32
    %dma_start3A_310 = tpu.memref_slice %arg3[%add3A_308, %dma_start3A_309] : memref<32768x1024xf32, #tpu.memory_space<hbm>> -> memref<32x1024xf32, #tpu.memory_space<hbm>>
    %dma_start3A_311 = arith.constant 0 : i32
    %dma_start3A_312 = tpu.memref_slice %arg3[%add3A_308, %dma_start3A_311] : memref<32768x1024xf32, #tpu.memory_space<hbm>> -> memref<32x1024xf32, #tpu.memory_space<hbm>>
    tpu.enqueue_dma source(%arg5 : memref<32x1024xf32, #tpu.memory_space<vmem>>) target(%dma_start3A_312 : memref<32x1024xf32, #tpu.memory_space<hbm>>) target_semaphore(%arg9 : memref<!tpu.dma_semaphore, #tpu.memory_space<semaphore_mem>>)
    %dma_wait3A_313 = arith.constant 0 : i32
    %dma_wait3A_314 = tpu.memref_slice %arg3[%add3A_288, %dma_wait3A_313] : memref<32768x1024xf32, #tpu.memory_space<hbm>> -> memref<32x1024xf32, #tpu.memory_space<hbm>>
    %dma_wait3A_315 = arith.constant 0 : i32
    %dma_wait3A_316 = tpu.memref_slice %arg3[%add3A_288, %dma_wait3A_315] : memref<32768x1024xf32, #tpu.memory_space<hbm>> -> memref<32x1024xf32, #tpu.memory_space<hbm>>
    tpu.wait_dma2 semaphore(%arg8 : memref<!tpu.dma_semaphore, #tpu.memory_space<semaphore_mem>>) src(%arg4 : memref<32x1024xf32, #tpu.memory_space<vmem>>) dst(%dma_wait3A_316 : memref<32x1024xf32, #tpu.memory_space<hbm>>)
    %add3A_317 = arith.constant 512 : i32
    %add3A_318 = arith.addi %mul3A_2, %add3A_317 : i32
    %dma_start3A_319 = arith.constant 0 : i32
    %dma_start3A_320 = tpu.memref_slice %arg2[%add3A_318, %dma_start3A_319] : memref<32768x1024xf32, #tpu.memory_space<hbm>> -> memref<32x1024xf32, #tpu.memory_space<hbm>>
    %dma_start3A_321 = arith.constant 0 : i32
    %dma_start3A_322 = tpu.memref_slice %arg2[%add3A_318, %dma_start3A_321] : memref<32768x1024xf32, #tpu.memory_space<hbm>> -> memref<32x1024xf32, #tpu.memory_space<hbm>>
    tpu.enqueue_dma source(%dma_start3A_322 : memref<32x1024xf32, #tpu.memory_space<hbm>>) target(%arg4 : memref<32x1024xf32, #tpu.memory_space<vmem>>) target_semaphore(%arg6 : memref<!tpu.dma_semaphore, #tpu.memory_space<semaphore_mem>>)
    %dma_wait3A_323 = arith.constant 0 : i32
    %dma_wait3A_324 = tpu.memref_slice %arg2[%add3A_318, %dma_wait3A_323] : memref<32768x1024xf32, #tpu.memory_space<hbm>> -> memref<32x1024xf32, #tpu.memory_space<hbm>>
    %dma_wait3A_325 = arith.constant 0 : i32
    %dma_wait3A_326 = tpu.memref_slice %arg2[%add3A_318, %dma_wait3A_325] : memref<32768x1024xf32, #tpu.memory_space<hbm>> -> memref<32x1024xf32, #tpu.memory_space<hbm>>
    tpu.wait_dma2 semaphore(%arg6 : memref<!tpu.dma_semaphore, #tpu.memory_space<semaphore_mem>>) src(%dma_wait3A_326 : memref<32x1024xf32, #tpu.memory_space<hbm>>) dst(%arg4 : memref<32x1024xf32, #tpu.memory_space<vmem>>)
    %add3A_327 = arith.constant 512 : i32
    %add3A_328 = arith.addi %mul3A_2, %add3A_327 : i32
    %dma_start3A_329 = arith.constant 0 : i32
    %dma_start3A_330 = tpu.memref_slice %arg3[%add3A_328, %dma_start3A_329] : memref<32768x1024xf32, #tpu.memory_space<hbm>> -> memref<32x1024xf32, #tpu.memory_space<hbm>>
    %dma_start3A_331 = arith.constant 0 : i32
    %dma_start3A_332 = tpu.memref_slice %arg3[%add3A_328, %dma_start3A_331] : memref<32768x1024xf32, #tpu.memory_space<hbm>> -> memref<32x1024xf32, #tpu.memory_space<hbm>>
    tpu.enqueue_dma source(%arg4 : memref<32x1024xf32, #tpu.memory_space<vmem>>) target(%dma_start3A_332 : memref<32x1024xf32, #tpu.memory_space<hbm>>) target_semaphore(%arg8 : memref<!tpu.dma_semaphore, #tpu.memory_space<semaphore_mem>>)
    %dma_wait3A_333 = arith.constant 0 : i32
    %dma_wait3A_334 = tpu.memref_slice %arg3[%add3A_308, %dma_wait3A_333] : memref<32768x1024xf32, #tpu.memory_space<hbm>> -> memref<32x1024xf32, #tpu.memory_space<hbm>>
    %dma_wait3A_335 = arith.constant 0 : i32
    %dma_wait3A_336 = tpu.memref_slice %arg3[%add3A_308, %dma_wait3A_335] : memref<32768x1024xf32, #tpu.memory_space<hbm>> -> memref<32x1024xf32, #tpu.memory_space<hbm>>
    tpu.wait_dma2 semaphore(%arg9 : memref<!tpu.dma_semaphore, #tpu.memory_space<semaphore_mem>>) src(%arg5 : memref<32x1024xf32, #tpu.memory_space<vmem>>) dst(%dma_wait3A_336 : memref<32x1024xf32, #tpu.memory_space<hbm>>)
    %add3A_337 = arith.constant 544 : i32
    %add3A_338 = arith.addi %mul3A_2, %add3A_337 : i32
    %dma_start3A_339 = arith.constant 0 : i32
    %dma_start3A_340 = tpu.memref_slice %arg2[%add3A_338, %dma_start3A_339] : memref<32768x1024xf32, #tpu.memory_space<hbm>> -> memref<32x1024xf32, #tpu.memory_space<hbm>>
    %dma_start3A_341 = arith.constant 0 : i32
    %dma_start3A_342 = tpu.memref_slice %arg2[%add3A_338, %dma_start3A_341] : memref<32768x1024xf32, #tpu.memory_space<hbm>> -> memref<32x1024xf32, #tpu.memory_space<hbm>>
    tpu.enqueue_dma source(%dma_start3A_342 : memref<32x1024xf32, #tpu.memory_space<hbm>>) target(%arg5 : memref<32x1024xf32, #tpu.memory_space<vmem>>) target_semaphore(%arg7 : memref<!tpu.dma_semaphore, #tpu.memory_space<semaphore_mem>>)
    %dma_wait3A_343 = arith.constant 0 : i32
    %dma_wait3A_344 = tpu.memref_slice %arg2[%add3A_338, %dma_wait3A_343] : memref<32768x1024xf32, #tpu.memory_space<hbm>> -> memref<32x1024xf32, #tpu.memory_space<hbm>>
    %dma_wait3A_345 = arith.constant 0 : i32
    %dma_wait3A_346 = tpu.memref_slice %arg2[%add3A_338, %dma_wait3A_345] : memref<32768x1024xf32, #tpu.memory_space<hbm>> -> memref<32x1024xf32, #tpu.memory_space<hbm>>
    tpu.wait_dma2 semaphore(%arg7 : memref<!tpu.dma_semaphore, #tpu.memory_space<semaphore_mem>>) src(%dma_wait3A_346 : memref<32x1024xf32, #tpu.memory_space<hbm>>) dst(%arg5 : memref<32x1024xf32, #tpu.memory_space<vmem>>)
    %add3A_347 = arith.constant 544 : i32
    %add3A_348 = arith.addi %mul3A_2, %add3A_347 : i32
    %dma_start3A_349 = arith.constant 0 : i32
    %dma_start3A_350 = tpu.memref_slice %arg3[%add3A_348, %dma_start3A_349] : memref<32768x1024xf32, #tpu.memory_space<hbm>> -> memref<32x1024xf32, #tpu.memory_space<hbm>>
    %dma_start3A_351 = arith.constant 0 : i32
    %dma_start3A_352 = tpu.memref_slice %arg3[%add3A_348, %dma_start3A_351] : memref<32768x1024xf32, #tpu.memory_space<hbm>> -> memref<32x1024xf32, #tpu.memory_space<hbm>>
    tpu.enqueue_dma source(%arg5 : memref<32x1024xf32, #tpu.memory_space<vmem>>) target(%dma_start3A_352 : memref<32x1024xf32, #tpu.memory_space<hbm>>) target_semaphore(%arg9 : memref<!tpu.dma_semaphore, #tpu.memory_space<semaphore_mem>>)
    %dma_wait3A_353 = arith.constant 0 : i32
    %dma_wait3A_354 = tpu.memref_slice %arg3[%add3A_328, %dma_wait3A_353] : memref<32768x1024xf32, #tpu.memory_space<hbm>> -> memref<32x1024xf32, #tpu.memory_space<hbm>>
    %dma_wait3A_355 = arith.constant 0 : i32
    %dma_wait3A_356 = tpu.memref_slice %arg3[%add3A_328, %dma_wait3A_355] : memref<32768x1024xf32, #tpu.memory_space<hbm>> -> memref<32x1024xf32, #tpu.memory_space<hbm>>
    tpu.wait_dma2 semaphore(%arg8 : memref<!tpu.dma_semaphore, #tpu.memory_space<semaphore_mem>>) src(%arg4 : memref<32x1024xf32, #tpu.memory_space<vmem>>) dst(%dma_wait3A_356 : memref<32x1024xf32, #tpu.memory_space<hbm>>)
    %add3A_357 = arith.constant 576 : i32
    %add3A_358 = arith.addi %mul3A_2, %add3A_357 : i32
    %dma_start3A_359 = arith.constant 0 : i32
    %dma_start3A_360 = tpu.memref_slice %arg2[%add3A_358, %dma_start3A_359] : memref<32768x1024xf32, #tpu.memory_space<hbm>> -> memref<32x1024xf32, #tpu.memory_space<hbm>>
    %dma_start3A_361 = arith.constant 0 : i32
    %dma_start3A_362 = tpu.memref_slice %arg2[%add3A_358, %dma_start3A_361] : memref<32768x1024xf32, #tpu.memory_space<hbm>> -> memref<32x1024xf32, #tpu.memory_space<hbm>>
    tpu.enqueue_dma source(%dma_start3A_362 : memref<32x1024xf32, #tpu.memory_space<hbm>>) target(%arg4 : memref<32x1024xf32, #tpu.memory_space<vmem>>) target_semaphore(%arg6 : memref<!tpu.dma_semaphore, #tpu.memory_space<semaphore_mem>>)
    %dma_wait3A_363 = arith.constant 0 : i32
    %dma_wait3A_364 = tpu.memref_slice %arg2[%add3A_358, %dma_wait3A_363] : memref<32768x1024xf32, #tpu.memory_space<hbm>> -> memref<32x1024xf32, #tpu.memory_space<hbm>>
    %dma_wait3A_365 = arith.constant 0 : i32
    %dma_wait3A_366 = tpu.memref_slice %arg2[%add3A_358, %dma_wait3A_365] : memref<32768x1024xf32, #tpu.memory_space<hbm>> -> memref<32x1024xf32, #tpu.memory_space<hbm>>
    tpu.wait_dma2 semaphore(%arg6 : memref<!tpu.dma_semaphore, #tpu.memory_space<semaphore_mem>>) src(%dma_wait3A_366 : memref<32x1024xf32, #tpu.memory_space<hbm>>) dst(%arg4 : memref<32x1024xf32, #tpu.memory_space<vmem>>)
    %add3A_367 = arith.constant 576 : i32
    %add3A_368 = arith.addi %mul3A_2, %add3A_367 : i32
    %dma_start3A_369 = arith.constant 0 : i32
    %dma_start3A_370 = tpu.memref_slice %arg3[%add3A_368, %dma_start3A_369] : memref<32768x1024xf32, #tpu.memory_space<hbm>> -> memref<32x1024xf32, #tpu.memory_space<hbm>>
    %dma_start3A_371 = arith.constant 0 : i32
    %dma_start3A_372 = tpu.memref_slice %arg3[%add3A_368, %dma_start3A_371] : memref<32768x1024xf32, #tpu.memory_space<hbm>> -> memref<32x1024xf32, #tpu.memory_space<hbm>>
    tpu.enqueue_dma source(%arg4 : memref<32x1024xf32, #tpu.memory_space<vmem>>) target(%dma_start3A_372 : memref<32x1024xf32, #tpu.memory_space<hbm>>) target_semaphore(%arg8 : memref<!tpu.dma_semaphore, #tpu.memory_space<semaphore_mem>>)
    %dma_wait3A_373 = arith.constant 0 : i32
    %dma_wait3A_374 = tpu.memref_slice %arg3[%add3A_348, %dma_wait3A_373] : memref<32768x1024xf32, #tpu.memory_space<hbm>> -> memref<32x1024xf32, #tpu.memory_space<hbm>>
    %dma_wait3A_375 = arith.constant 0 : i32
    %dma_wait3A_376 = tpu.memref_slice %arg3[%add3A_348, %dma_wait3A_375] : memref<32768x1024xf32, #tpu.memory_space<hbm>> -> memref<32x1024xf32, #tpu.memory_space<hbm>>
    tpu.wait_dma2 semaphore(%arg9 : memref<!tpu.dma_semaphore, #tpu.memory_space<semaphore_mem>>) src(%arg5 : memref<32x1024xf32, #tpu.memory_space<vmem>>) dst(%dma_wait3A_376 : memref<32x1024xf32, #tpu.memory_space<hbm>>)
    %add3A_377 = arith.constant 608 : i32
    %add3A_378 = arith.addi %mul3A_2, %add3A_377 : i32
    %dma_start3A_379 = arith.constant 0 : i32
    %dma_start3A_380 = tpu.memref_slice %arg2[%add3A_378, %dma_start3A_379] : memref<32768x1024xf32, #tpu.memory_space<hbm>> -> memref<32x1024xf32, #tpu.memory_space<hbm>>
    %dma_start3A_381 = arith.constant 0 : i32
    %dma_start3A_382 = tpu.memref_slice %arg2[%add3A_378, %dma_start3A_381] : memref<32768x1024xf32, #tpu.memory_space<hbm>> -> memref<32x1024xf32, #tpu.memory_space<hbm>>
    tpu.enqueue_dma source(%dma_start3A_382 : memref<32x1024xf32, #tpu.memory_space<hbm>>) target(%arg5 : memref<32x1024xf32, #tpu.memory_space<vmem>>) target_semaphore(%arg7 : memref<!tpu.dma_semaphore, #tpu.memory_space<semaphore_mem>>)
    %dma_wait3A_383 = arith.constant 0 : i32
    %dma_wait3A_384 = tpu.memref_slice %arg2[%add3A_378, %dma_wait3A_383] : memref<32768x1024xf32, #tpu.memory_space<hbm>> -> memref<32x1024xf32, #tpu.memory_space<hbm>>
    %dma_wait3A_385 = arith.constant 0 : i32
    %dma_wait3A_386 = tpu.memref_slice %arg2[%add3A_378, %dma_wait3A_385] : memref<32768x1024xf32, #tpu.memory_space<hbm>> -> memref<32x1024xf32, #tpu.memory_space<hbm>>
    tpu.wait_dma2 semaphore(%arg7 : memref<!tpu.dma_semaphore, #tpu.memory_space<semaphore_mem>>) src(%dma_wait3A_386 : memref<32x1024xf32, #tpu.memory_space<hbm>>) dst(%arg5 : memref<32x1024xf32, #tpu.memory_space<vmem>>)
    %add3A_387 = arith.constant 608 : i32
    %add3A_388 = arith.addi %mul3A_2, %add3A_387 : i32
    %dma_start3A_389 = arith.constant 0 : i32
    %dma_start3A_390 = tpu.memref_slice %arg3[%add3A_388, %dma_start3A_389] : memref<32768x1024xf32, #tpu.memory_space<hbm>> -> memref<32x1024xf32, #tpu.memory_space<hbm>>
    %dma_start3A_391 = arith.constant 0 : i32
    %dma_start3A_392 = tpu.memref_slice %arg3[%add3A_388, %dma_start3A_391] : memref<32768x1024xf32, #tpu.memory_space<hbm>> -> memref<32x1024xf32, #tpu.memory_space<hbm>>
    tpu.enqueue_dma source(%arg5 : memref<32x1024xf32, #tpu.memory_space<vmem>>) target(%dma_start3A_392 : memref<32x1024xf32, #tpu.memory_space<hbm>>) target_semaphore(%arg9 : memref<!tpu.dma_semaphore, #tpu.memory_space<semaphore_mem>>)
    %dma_wait3A_393 = arith.constant 0 : i32
    %dma_wait3A_394 = tpu.memref_slice %arg3[%add3A_368, %dma_wait3A_393] : memref<32768x1024xf32, #tpu.memory_space<hbm>> -> memref<32x1024xf32, #tpu.memory_space<hbm>>
    %dma_wait3A_395 = arith.constant 0 : i32
    %dma_wait3A_396 = tpu.memref_slice %arg3[%add3A_368, %dma_wait3A_395] : memref<32768x1024xf32, #tpu.memory_space<hbm>> -> memref<32x1024xf32, #tpu.memory_space<hbm>>
    tpu.wait_dma2 semaphore(%arg8 : memref<!tpu.dma_semaphore, #tpu.memory_space<semaphore_mem>>) src(%arg4 : memref<32x1024xf32, #tpu.memory_space<vmem>>) dst(%dma_wait3A_396 : memref<32x1024xf32, #tpu.memory_space<hbm>>)
    %add3A_397 = arith.constant 640 : i32
    %add3A_398 = arith.addi %mul3A_2, %add3A_397 : i32
    %dma_start3A_399 = arith.constant 0 : i32
    %dma_start3A_400 = tpu.memref_slice %arg2[%add3A_398, %dma_start3A_399] : memref<32768x1024xf32, #tpu.memory_space<hbm>> -> memref<32x1024xf32, #tpu.memory_space<hbm>>
    %dma_start3A_401 = arith.constant 0 : i32
    %dma_start3A_402 = tpu.memref_slice %arg2[%add3A_398, %dma_start3A_401] : memref<32768x1024xf32, #tpu.memory_space<hbm>> -> memref<32x1024xf32, #tpu.memory_space<hbm>>
    tpu.enqueue_dma source(%dma_start3A_402 : memref<32x1024xf32, #tpu.memory_space<hbm>>) target(%arg4 : memref<32x1024xf32, #tpu.memory_space<vmem>>) target_semaphore(%arg6 : memref<!tpu.dma_semaphore, #tpu.memory_space<semaphore_mem>>)
    %dma_wait3A_403 = arith.constant 0 : i32
    %dma_wait3A_404 = tpu.memref_slice %arg2[%add3A_398, %dma_wait3A_403] : memref<32768x1024xf32, #tpu.memory_space<hbm>> -> memref<32x1024xf32, #tpu.memory_space<hbm>>
    %dma_wait3A_405 = arith.constant 0 : i32
    %dma_wait3A_406 = tpu.memref_slice %arg2[%add3A_398, %dma_wait3A_405] : memref<32768x1024xf32, #tpu.memory_space<hbm>> -> memref<32x1024xf32, #tpu.memory_space<hbm>>
    tpu.wait_dma2 semaphore(%arg6 : memref<!tpu.dma_semaphore, #tpu.memory_space<semaphore_mem>>) src(%dma_wait3A_406 : memref<32x1024xf32, #tpu.memory_space<hbm>>) dst(%arg4 : memref<32x1024xf32, #tpu.memory_space<vmem>>)
    %add3A_407 = arith.constant 640 : i32
    %add3A_408 = arith.addi %mul3A_2, %add3A_407 : i32
    %dma_start3A_409 = arith.constant 0 : i32
    %dma_start3A_410 = tpu.memref_slice %arg3[%add3A_408, %dma_start3A_409] : memref<32768x1024xf32, #tpu.memory_space<hbm>> -> memref<32x1024xf32, #tpu.memory_space<hbm>>
    %dma_start3A_411 = arith.constant 0 : i32
    %dma_start3A_412 = tpu.memref_slice %arg3[%add3A_408, %dma_start3A_411] : memref<32768x1024xf32, #tpu.memory_space<hbm>> -> memref<32x1024xf32, #tpu.memory_space<hbm>>
    tpu.enqueue_dma source(%arg4 : memref<32x1024xf32, #tpu.memory_space<vmem>>) target(%dma_start3A_412 : memref<32x1024xf32, #tpu.memory_space<hbm>>) target_semaphore(%arg8 : memref<!tpu.dma_semaphore, #tpu.memory_space<semaphore_mem>>)
    %dma_wait3A_413 = arith.constant 0 : i32
    %dma_wait3A_414 = tpu.memref_slice %arg3[%add3A_388, %dma_wait3A_413] : memref<32768x1024xf32, #tpu.memory_space<hbm>> -> memref<32x1024xf32, #tpu.memory_space<hbm>>
    %dma_wait3A_415 = arith.constant 0 : i32
    %dma_wait3A_416 = tpu.memref_slice %arg3[%add3A_388, %dma_wait3A_415] : memref<32768x1024xf32, #tpu.memory_space<hbm>> -> memref<32x1024xf32, #tpu.memory_space<hbm>>
    tpu.wait_dma2 semaphore(%arg9 : memref<!tpu.dma_semaphore, #tpu.memory_space<semaphore_mem>>) src(%arg5 : memref<32x1024xf32, #tpu.memory_space<vmem>>) dst(%dma_wait3A_416 : memref<32x1024xf32, #tpu.memory_space<hbm>>)
    %add3A_417 = arith.constant 672 : i32
    %add3A_418 = arith.addi %mul3A_2, %add3A_417 : i32
    %dma_start3A_419 = arith.constant 0 : i32
    %dma_start3A_420 = tpu.memref_slice %arg2[%add3A_418, %dma_start3A_419] : memref<32768x1024xf32, #tpu.memory_space<hbm>> -> memref<32x1024xf32, #tpu.memory_space<hbm>>
    %dma_start3A_421 = arith.constant 0 : i32
    %dma_start3A_422 = tpu.memref_slice %arg2[%add3A_418, %dma_start3A_421] : memref<32768x1024xf32, #tpu.memory_space<hbm>> -> memref<32x1024xf32, #tpu.memory_space<hbm>>
    tpu.enqueue_dma source(%dma_start3A_422 : memref<32x1024xf32, #tpu.memory_space<hbm>>) target(%arg5 : memref<32x1024xf32, #tpu.memory_space<vmem>>) target_semaphore(%arg7 : memref<!tpu.dma_semaphore, #tpu.memory_space<semaphore_mem>>)
    %dma_wait3A_423 = arith.constant 0 : i32
    %dma_wait3A_424 = tpu.memref_slice %arg2[%add3A_418, %dma_wait3A_423] : memref<32768x1024xf32, #tpu.memory_space<hbm>> -> memref<32x1024xf32, #tpu.memory_space<hbm>>
    %dma_wait3A_425 = arith.constant 0 : i32
    %dma_wait3A_426 = tpu.memref_slice %arg2[%add3A_418, %dma_wait3A_425] : memref<32768x1024xf32, #tpu.memory_space<hbm>> -> memref<32x1024xf32, #tpu.memory_space<hbm>>
    tpu.wait_dma2 semaphore(%arg7 : memref<!tpu.dma_semaphore, #tpu.memory_space<semaphore_mem>>) src(%dma_wait3A_426 : memref<32x1024xf32, #tpu.memory_space<hbm>>) dst(%arg5 : memref<32x1024xf32, #tpu.memory_space<vmem>>)
    %add3A_427 = arith.constant 672 : i32
    %add3A_428 = arith.addi %mul3A_2, %add3A_427 : i32
    %dma_start3A_429 = arith.constant 0 : i32
    %dma_start3A_430 = tpu.memref_slice %arg3[%add3A_428, %dma_start3A_429] : memref<32768x1024xf32, #tpu.memory_space<hbm>> -> memref<32x1024xf32, #tpu.memory_space<hbm>>
    %dma_start3A_431 = arith.constant 0 : i32
    %dma_start3A_432 = tpu.memref_slice %arg3[%add3A_428, %dma_start3A_431] : memref<32768x1024xf32, #tpu.memory_space<hbm>> -> memref<32x1024xf32, #tpu.memory_space<hbm>>
    tpu.enqueue_dma source(%arg5 : memref<32x1024xf32, #tpu.memory_space<vmem>>) target(%dma_start3A_432 : memref<32x1024xf32, #tpu.memory_space<hbm>>) target_semaphore(%arg9 : memref<!tpu.dma_semaphore, #tpu.memory_space<semaphore_mem>>)
    %dma_wait3A_433 = arith.constant 0 : i32
    %dma_wait3A_434 = tpu.memref_slice %arg3[%add3A_408, %dma_wait3A_433] : memref<32768x1024xf32, #tpu.memory_space<hbm>> -> memref<32x1024xf32, #tpu.memory_space<hbm>>
    %dma_wait3A_435 = arith.constant 0 : i32
    %dma_wait3A_436 = tpu.memref_slice %arg3[%add3A_408, %dma_wait3A_435] : memref<32768x1024xf32, #tpu.memory_space<hbm>> -> memref<32x1024xf32, #tpu.memory_space<hbm>>
    tpu.wait_dma2 semaphore(%arg8 : memref<!tpu.dma_semaphore, #tpu.memory_space<semaphore_mem>>) src(%arg4 : memref<32x1024xf32, #tpu.memory_space<vmem>>) dst(%dma_wait3A_436 : memref<32x1024xf32, #tpu.memory_space<hbm>>)
    %add3A_437 = arith.constant 704 : i32
    %add3A_438 = arith.addi %mul3A_2, %add3A_437 : i32
    %dma_start3A_439 = arith.constant 0 : i32
    %dma_start3A_440 = tpu.memref_slice %arg2[%add3A_438, %dma_start3A_439] : memref<32768x1024xf32, #tpu.memory_space<hbm>> -> memref<32x1024xf32, #tpu.memory_space<hbm>>
    %dma_start3A_441 = arith.constant 0 : i32
    %dma_start3A_442 = tpu.memref_slice %arg2[%add3A_438, %dma_start3A_441] : memref<32768x1024xf32, #tpu.memory_space<hbm>> -> memref<32x1024xf32, #tpu.memory_space<hbm>>
    tpu.enqueue_dma source(%dma_start3A_442 : memref<32x1024xf32, #tpu.memory_space<hbm>>) target(%arg4 : memref<32x1024xf32, #tpu.memory_space<vmem>>) target_semaphore(%arg6 : memref<!tpu.dma_semaphore, #tpu.memory_space<semaphore_mem>>)
    %dma_wait3A_443 = arith.constant 0 : i32
    %dma_wait3A_444 = tpu.memref_slice %arg2[%add3A_438, %dma_wait3A_443] : memref<32768x1024xf32, #tpu.memory_space<hbm>> -> memref<32x1024xf32, #tpu.memory_space<hbm>>
    %dma_wait3A_445 = arith.constant 0 : i32
    %dma_wait3A_446 = tpu.memref_slice %arg2[%add3A_438, %dma_wait3A_445] : memref<32768x1024xf32, #tpu.memory_space<hbm>> -> memref<32x1024xf32, #tpu.memory_space<hbm>>
    tpu.wait_dma2 semaphore(%arg6 : memref<!tpu.dma_semaphore, #tpu.memory_space<semaphore_mem>>) src(%dma_wait3A_446 : memref<32x1024xf32, #tpu.memory_space<hbm>>) dst(%arg4 : memref<32x1024xf32, #tpu.memory_space<vmem>>)
    %add3A_447 = arith.constant 704 : i32
    %add3A_448 = arith.addi %mul3A_2, %add3A_447 : i32
    %dma_start3A_449 = arith.constant 0 : i32
    %dma_start3A_450 = tpu.memref_slice %arg3[%add3A_448, %dma_start3A_449] : memref<32768x1024xf32, #tpu.memory_space<hbm>> -> memref<32x1024xf32, #tpu.memory_space<hbm>>
    %dma_start3A_451 = arith.constant 0 : i32
    %dma_start3A_452 = tpu.memref_slice %arg3[%add3A_448, %dma_start3A_451] : memref<32768x1024xf32, #tpu.memory_space<hbm>> -> memref<32x1024xf32, #tpu.memory_space<hbm>>
    tpu.enqueue_dma source(%arg4 : memref<32x1024xf32, #tpu.memory_space<vmem>>) target(%dma_start3A_452 : memref<32x1024xf32, #tpu.memory_space<hbm>>) target_semaphore(%arg8 : memref<!tpu.dma_semaphore, #tpu.memory_space<semaphore_mem>>)
    %dma_wait3A_453 = arith.constant 0 : i32
    %dma_wait3A_454 = tpu.memref_slice %arg3[%add3A_428, %dma_wait3A_453] : memref<32768x1024xf32, #tpu.memory_space<hbm>> -> memref<32x1024xf32, #tpu.memory_space<hbm>>
    %dma_wait3A_455 = arith.constant 0 : i32
    %dma_wait3A_456 = tpu.memref_slice %arg3[%add3A_428, %dma_wait3A_455] : memref<32768x1024xf32, #tpu.memory_space<hbm>> -> memref<32x1024xf32, #tpu.memory_space<hbm>>
    tpu.wait_dma2 semaphore(%arg9 : memref<!tpu.dma_semaphore, #tpu.memory_space<semaphore_mem>>) src(%arg5 : memref<32x1024xf32, #tpu.memory_space<vmem>>) dst(%dma_wait3A_456 : memref<32x1024xf32, #tpu.memory_space<hbm>>)
    %add3A_457 = arith.constant 736 : i32
    %add3A_458 = arith.addi %mul3A_2, %add3A_457 : i32
    %dma_start3A_459 = arith.constant 0 : i32
    %dma_start3A_460 = tpu.memref_slice %arg2[%add3A_458, %dma_start3A_459] : memref<32768x1024xf32, #tpu.memory_space<hbm>> -> memref<32x1024xf32, #tpu.memory_space<hbm>>
    %dma_start3A_461 = arith.constant 0 : i32
    %dma_start3A_462 = tpu.memref_slice %arg2[%add3A_458, %dma_start3A_461] : memref<32768x1024xf32, #tpu.memory_space<hbm>> -> memref<32x1024xf32, #tpu.memory_space<hbm>>
    tpu.enqueue_dma source(%dma_start3A_462 : memref<32x1024xf32, #tpu.memory_space<hbm>>) target(%arg5 : memref<32x1024xf32, #tpu.memory_space<vmem>>) target_semaphore(%arg7 : memref<!tpu.dma_semaphore, #tpu.memory_space<semaphore_mem>>)
    %dma_wait3A_463 = arith.constant 0 : i32
    %dma_wait3A_464 = tpu.memref_slice %arg2[%add3A_458, %dma_wait3A_463] : memref<32768x1024xf32, #tpu.memory_space<hbm>> -> memref<32x1024xf32, #tpu.memory_space<hbm>>
    %dma_wait3A_465 = arith.constant 0 : i32
    %dma_wait3A_466 = tpu.memref_slice %arg2[%add3A_458, %dma_wait3A_465] : memref<32768x1024xf32, #tpu.memory_space<hbm>> -> memref<32x1024xf32, #tpu.memory_space<hbm>>
    tpu.wait_dma2 semaphore(%arg7 : memref<!tpu.dma_semaphore, #tpu.memory_space<semaphore_mem>>) src(%dma_wait3A_466 : memref<32x1024xf32, #tpu.memory_space<hbm>>) dst(%arg5 : memref<32x1024xf32, #tpu.memory_space<vmem>>)
    %add3A_467 = arith.constant 736 : i32
    %add3A_468 = arith.addi %mul3A_2, %add3A_467 : i32
    %dma_start3A_469 = arith.constant 0 : i32
    %dma_start3A_470 = tpu.memref_slice %arg3[%add3A_468, %dma_start3A_469] : memref<32768x1024xf32, #tpu.memory_space<hbm>> -> memref<32x1024xf32, #tpu.memory_space<hbm>>
    %dma_start3A_471 = arith.constant 0 : i32
    %dma_start3A_472 = tpu.memref_slice %arg3[%add3A_468, %dma_start3A_471] : memref<32768x1024xf32, #tpu.memory_space<hbm>> -> memref<32x1024xf32, #tpu.memory_space<hbm>>
    tpu.enqueue_dma source(%arg5 : memref<32x1024xf32, #tpu.memory_space<vmem>>) target(%dma_start3A_472 : memref<32x1024xf32, #tpu.memory_space<hbm>>) target_semaphore(%arg9 : memref<!tpu.dma_semaphore, #tpu.memory_space<semaphore_mem>>)
    %dma_wait3A_473 = arith.constant 0 : i32
    %dma_wait3A_474 = tpu.memref_slice %arg3[%add3A_448, %dma_wait3A_473] : memref<32768x1024xf32, #tpu.memory_space<hbm>> -> memref<32x1024xf32, #tpu.memory_space<hbm>>
    %dma_wait3A_475 = arith.constant 0 : i32
    %dma_wait3A_476 = tpu.memref_slice %arg3[%add3A_448, %dma_wait3A_475] : memref<32768x1024xf32, #tpu.memory_space<hbm>> -> memref<32x1024xf32, #tpu.memory_space<hbm>>
    tpu.wait_dma2 semaphore(%arg8 : memref<!tpu.dma_semaphore, #tpu.memory_space<semaphore_mem>>) src(%arg4 : memref<32x1024xf32, #tpu.memory_space<vmem>>) dst(%dma_wait3A_476 : memref<32x1024xf32, #tpu.memory_space<hbm>>)
    %add3A_477 = arith.constant 768 : i32
    %add3A_478 = arith.addi %mul3A_2, %add3A_477 : i32
    %dma_start3A_479 = arith.constant 0 : i32
    %dma_start3A_480 = tpu.memref_slice %arg2[%add3A_478, %dma_start3A_479] : memref<32768x1024xf32, #tpu.memory_space<hbm>> -> memref<32x1024xf32, #tpu.memory_space<hbm>>
    %dma_start3A_481 = arith.constant 0 : i32
    %dma_start3A_482 = tpu.memref_slice %arg2[%add3A_478, %dma_start3A_481] : memref<32768x1024xf32, #tpu.memory_space<hbm>> -> memref<32x1024xf32, #tpu.memory_space<hbm>>
    tpu.enqueue_dma source(%dma_start3A_482 : memref<32x1024xf32, #tpu.memory_space<hbm>>) target(%arg4 : memref<32x1024xf32, #tpu.memory_space<vmem>>) target_semaphore(%arg6 : memref<!tpu.dma_semaphore, #tpu.memory_space<semaphore_mem>>)
    %dma_wait3A_483 = arith.constant 0 : i32
    %dma_wait3A_484 = tpu.memref_slice %arg2[%add3A_478, %dma_wait3A_483] : memref<32768x1024xf32, #tpu.memory_space<hbm>> -> memref<32x1024xf32, #tpu.memory_space<hbm>>
    %dma_wait3A_485 = arith.constant 0 : i32
    %dma_wait3A_486 = tpu.memref_slice %arg2[%add3A_478, %dma_wait3A_485] : memref<32768x1024xf32, #tpu.memory_space<hbm>> -> memref<32x1024xf32, #tpu.memory_space<hbm>>
    tpu.wait_dma2 semaphore(%arg6 : memref<!tpu.dma_semaphore, #tpu.memory_space<semaphore_mem>>) src(%dma_wait3A_486 : memref<32x1024xf32, #tpu.memory_space<hbm>>) dst(%arg4 : memref<32x1024xf32, #tpu.memory_space<vmem>>)
    %add3A_487 = arith.constant 768 : i32
    %add3A_488 = arith.addi %mul3A_2, %add3A_487 : i32
    %dma_start3A_489 = arith.constant 0 : i32
    %dma_start3A_490 = tpu.memref_slice %arg3[%add3A_488, %dma_start3A_489] : memref<32768x1024xf32, #tpu.memory_space<hbm>> -> memref<32x1024xf32, #tpu.memory_space<hbm>>
    %dma_start3A_491 = arith.constant 0 : i32
    %dma_start3A_492 = tpu.memref_slice %arg3[%add3A_488, %dma_start3A_491] : memref<32768x1024xf32, #tpu.memory_space<hbm>> -> memref<32x1024xf32, #tpu.memory_space<hbm>>
    tpu.enqueue_dma source(%arg4 : memref<32x1024xf32, #tpu.memory_space<vmem>>) target(%dma_start3A_492 : memref<32x1024xf32, #tpu.memory_space<hbm>>) target_semaphore(%arg8 : memref<!tpu.dma_semaphore, #tpu.memory_space<semaphore_mem>>)
    %dma_wait3A_493 = arith.constant 0 : i32
    %dma_wait3A_494 = tpu.memref_slice %arg3[%add3A_468, %dma_wait3A_493] : memref<32768x1024xf32, #tpu.memory_space<hbm>> -> memref<32x1024xf32, #tpu.memory_space<hbm>>
    %dma_wait3A_495 = arith.constant 0 : i32
    %dma_wait3A_496 = tpu.memref_slice %arg3[%add3A_468, %dma_wait3A_495] : memref<32768x1024xf32, #tpu.memory_space<hbm>> -> memref<32x1024xf32, #tpu.memory_space<hbm>>
    tpu.wait_dma2 semaphore(%arg9 : memref<!tpu.dma_semaphore, #tpu.memory_space<semaphore_mem>>) src(%arg5 : memref<32x1024xf32, #tpu.memory_space<vmem>>) dst(%dma_wait3A_496 : memref<32x1024xf32, #tpu.memory_space<hbm>>)
    %add3A_497 = arith.constant 800 : i32
    %add3A_498 = arith.addi %mul3A_2, %add3A_497 : i32
    %dma_start3A_499 = arith.constant 0 : i32
    %dma_start3A_500 = tpu.memref_slice %arg2[%add3A_498, %dma_start3A_499] : memref<32768x1024xf32, #tpu.memory_space<hbm>> -> memref<32x1024xf32, #tpu.memory_space<hbm>>
    %dma_start3A_501 = arith.constant 0 : i32
    %dma_start3A_502 = tpu.memref_slice %arg2[%add3A_498, %dma_start3A_501] : memref<32768x1024xf32, #tpu.memory_space<hbm>> -> memref<32x1024xf32, #tpu.memory_space<hbm>>
    tpu.enqueue_dma source(%dma_start3A_502 : memref<32x1024xf32, #tpu.memory_space<hbm>>) target(%arg5 : memref<32x1024xf32, #tpu.memory_space<vmem>>) target_semaphore(%arg7 : memref<!tpu.dma_semaphore, #tpu.memory_space<semaphore_mem>>)
    %dma_wait3A_503 = arith.constant 0 : i32
    %dma_wait3A_504 = tpu.memref_slice %arg2[%add3A_498, %dma_wait3A_503] : memref<32768x1024xf32, #tpu.memory_space<hbm>> -> memref<32x1024xf32, #tpu.memory_space<hbm>>
    %dma_wait3A_505 = arith.constant 0 : i32
    %dma_wait3A_506 = tpu.memref_slice %arg2[%add3A_498, %dma_wait3A_505] : memref<32768x1024xf32, #tpu.memory_space<hbm>> -> memref<32x1024xf32, #tpu.memory_space<hbm>>
    tpu.wait_dma2 semaphore(%arg7 : memref<!tpu.dma_semaphore, #tpu.memory_space<semaphore_mem>>) src(%dma_wait3A_506 : memref<32x1024xf32, #tpu.memory_space<hbm>>) dst(%arg5 : memref<32x1024xf32, #tpu.memory_space<vmem>>)
    %add3A_507 = arith.constant 800 : i32
    %add3A_508 = arith.addi %mul3A_2, %add3A_507 : i32
    %dma_start3A_509 = arith.constant 0 : i32
    %dma_start3A_510 = tpu.memref_slice %arg3[%add3A_508, %dma_start3A_509] : memref<32768x1024xf32, #tpu.memory_space<hbm>> -> memref<32x1024xf32, #tpu.memory_space<hbm>>
    %dma_start3A_511 = arith.constant 0 : i32
    %dma_start3A_512 = tpu.memref_slice %arg3[%add3A_508, %dma_start3A_511] : memref<32768x1024xf32, #tpu.memory_space<hbm>> -> memref<32x1024xf32, #tpu.memory_space<hbm>>
    tpu.enqueue_dma source(%arg5 : memref<32x1024xf32, #tpu.memory_space<vmem>>) target(%dma_start3A_512 : memref<32x1024xf32, #tpu.memory_space<hbm>>) target_semaphore(%arg9 : memref<!tpu.dma_semaphore, #tpu.memory_space<semaphore_mem>>)
    %dma_wait3A_513 = arith.constant 0 : i32
    %dma_wait3A_514 = tpu.memref_slice %arg3[%add3A_488, %dma_wait3A_513] : memref<32768x1024xf32, #tpu.memory_space<hbm>> -> memref<32x1024xf32, #tpu.memory_space<hbm>>
    %dma_wait3A_515 = arith.constant 0 : i32
    %dma_wait3A_516 = tpu.memref_slice %arg3[%add3A_488, %dma_wait3A_515] : memref<32768x1024xf32, #tpu.memory_space<hbm>> -> memref<32x1024xf32, #tpu.memory_space<hbm>>
    tpu.wait_dma2 semaphore(%arg8 : memref<!tpu.dma_semaphore, #tpu.memory_space<semaphore_mem>>) src(%arg4 : memref<32x1024xf32, #tpu.memory_space<vmem>>) dst(%dma_wait3A_516 : memref<32x1024xf32, #tpu.memory_space<hbm>>)
    %add3A_517 = arith.constant 832 : i32
    %add3A_518 = arith.addi %mul3A_2, %add3A_517 : i32
    %dma_start3A_519 = arith.constant 0 : i32
    %dma_start3A_520 = tpu.memref_slice %arg2[%add3A_518, %dma_start3A_519] : memref<32768x1024xf32, #tpu.memory_space<hbm>> -> memref<32x1024xf32, #tpu.memory_space<hbm>>
    %dma_start3A_521 = arith.constant 0 : i32
    %dma_start3A_522 = tpu.memref_slice %arg2[%add3A_518, %dma_start3A_521] : memref<32768x1024xf32, #tpu.memory_space<hbm>> -> memref<32x1024xf32, #tpu.memory_space<hbm>>
    tpu.enqueue_dma source(%dma_start3A_522 : memref<32x1024xf32, #tpu.memory_space<hbm>>) target(%arg4 : memref<32x1024xf32, #tpu.memory_space<vmem>>) target_semaphore(%arg6 : memref<!tpu.dma_semaphore, #tpu.memory_space<semaphore_mem>>)
    %dma_wait3A_523 = arith.constant 0 : i32
    %dma_wait3A_524 = tpu.memref_slice %arg2[%add3A_518, %dma_wait3A_523] : memref<32768x1024xf32, #tpu.memory_space<hbm>> -> memref<32x1024xf32, #tpu.memory_space<hbm>>
    %dma_wait3A_525 = arith.constant 0 : i32
    %dma_wait3A_526 = tpu.memref_slice %arg2[%add3A_518, %dma_wait3A_525] : memref<32768x1024xf32, #tpu.memory_space<hbm>> -> memref<32x1024xf32, #tpu.memory_space<hbm>>
    tpu.wait_dma2 semaphore(%arg6 : memref<!tpu.dma_semaphore, #tpu.memory_space<semaphore_mem>>) src(%dma_wait3A_526 : memref<32x1024xf32, #tpu.memory_space<hbm>>) dst(%arg4 : memref<32x1024xf32, #tpu.memory_space<vmem>>)
    %add3A_527 = arith.constant 832 : i32
    %add3A_528 = arith.addi %mul3A_2, %add3A_527 : i32
    %dma_start3A_529 = arith.constant 0 : i32
    %dma_start3A_530 = tpu.memref_slice %arg3[%add3A_528, %dma_start3A_529] : memref<32768x1024xf32, #tpu.memory_space<hbm>> -> memref<32x1024xf32, #tpu.memory_space<hbm>>
    %dma_start3A_531 = arith.constant 0 : i32
    %dma_start3A_532 = tpu.memref_slice %arg3[%add3A_528, %dma_start3A_531] : memref<32768x1024xf32, #tpu.memory_space<hbm>> -> memref<32x1024xf32, #tpu.memory_space<hbm>>
    tpu.enqueue_dma source(%arg4 : memref<32x1024xf32, #tpu.memory_space<vmem>>) target(%dma_start3A_532 : memref<32x1024xf32, #tpu.memory_space<hbm>>) target_semaphore(%arg8 : memref<!tpu.dma_semaphore, #tpu.memory_space<semaphore_mem>>)
    %dma_wait3A_533 = arith.constant 0 : i32
    %dma_wait3A_534 = tpu.memref_slice %arg3[%add3A_508, %dma_wait3A_533] : memref<32768x1024xf32, #tpu.memory_space<hbm>> -> memref<32x1024xf32, #tpu.memory_space<hbm>>
    %dma_wait3A_535 = arith.constant 0 : i32
    %dma_wait3A_536 = tpu.memref_slice %arg3[%add3A_508, %dma_wait3A_535] : memref<32768x1024xf32, #tpu.memory_space<hbm>> -> memref<32x1024xf32, #tpu.memory_space<hbm>>
    tpu.wait_dma2 semaphore(%arg9 : memref<!tpu.dma_semaphore, #tpu.memory_space<semaphore_mem>>) src(%arg5 : memref<32x1024xf32, #tpu.memory_space<vmem>>) dst(%dma_wait3A_536 : memref<32x1024xf32, #tpu.memory_space<hbm>>)
    %add3A_537 = arith.constant 864 : i32
    %add3A_538 = arith.addi %mul3A_2, %add3A_537 : i32
    %dma_start3A_539 = arith.constant 0 : i32
    %dma_start3A_540 = tpu.memref_slice %arg2[%add3A_538, %dma_start3A_539] : memref<32768x1024xf32, #tpu.memory_space<hbm>> -> memref<32x1024xf32, #tpu.memory_space<hbm>>
    %dma_start3A_541 = arith.constant 0 : i32
    %dma_start3A_542 = tpu.memref_slice %arg2[%add3A_538, %dma_start3A_541] : memref<32768x1024xf32, #tpu.memory_space<hbm>> -> memref<32x1024xf32, #tpu.memory_space<hbm>>
    tpu.enqueue_dma source(%dma_start3A_542 : memref<32x1024xf32, #tpu.memory_space<hbm>>) target(%arg5 : memref<32x1024xf32, #tpu.memory_space<vmem>>) target_semaphore(%arg7 : memref<!tpu.dma_semaphore, #tpu.memory_space<semaphore_mem>>)
    %dma_wait3A_543 = arith.constant 0 : i32
    %dma_wait3A_544 = tpu.memref_slice %arg2[%add3A_538, %dma_wait3A_543] : memref<32768x1024xf32, #tpu.memory_space<hbm>> -> memref<32x1024xf32, #tpu.memory_space<hbm>>
    %dma_wait3A_545 = arith.constant 0 : i32
    %dma_wait3A_546 = tpu.memref_slice %arg2[%add3A_538, %dma_wait3A_545] : memref<32768x1024xf32, #tpu.memory_space<hbm>> -> memref<32x1024xf32, #tpu.memory_space<hbm>>
    tpu.wait_dma2 semaphore(%arg7 : memref<!tpu.dma_semaphore, #tpu.memory_space<semaphore_mem>>) src(%dma_wait3A_546 : memref<32x1024xf32, #tpu.memory_space<hbm>>) dst(%arg5 : memref<32x1024xf32, #tpu.memory_space<vmem>>)
    %add3A_547 = arith.constant 864 : i32
    %add3A_548 = arith.addi %mul3A_2, %add3A_547 : i32
    %dma_start3A_549 = arith.constant 0 : i32
    %dma_start3A_550 = tpu.memref_slice %arg3[%add3A_548, %dma_start3A_549] : memref<32768x1024xf32, #tpu.memory_space<hbm>> -> memref<32x1024xf32, #tpu.memory_space<hbm>>
    %dma_start3A_551 = arith.constant 0 : i32
    %dma_start3A_552 = tpu.memref_slice %arg3[%add3A_548, %dma_start3A_551] : memref<32768x1024xf32, #tpu.memory_space<hbm>> -> memref<32x1024xf32, #tpu.memory_space<hbm>>
    tpu.enqueue_dma source(%arg5 : memref<32x1024xf32, #tpu.memory_space<vmem>>) target(%dma_start3A_552 : memref<32x1024xf32, #tpu.memory_space<hbm>>) target_semaphore(%arg9 : memref<!tpu.dma_semaphore, #tpu.memory_space<semaphore_mem>>)
    %dma_wait3A_553 = arith.constant 0 : i32
    %dma_wait3A_554 = tpu.memref_slice %arg3[%add3A_528, %dma_wait3A_553] : memref<32768x1024xf32, #tpu.memory_space<hbm>> -> memref<32x1024xf32, #tpu.memory_space<hbm>>
    %dma_wait3A_555 = arith.constant 0 : i32
    %dma_wait3A_556 = tpu.memref_slice %arg3[%add3A_528, %dma_wait3A_555] : memref<32768x1024xf32, #tpu.memory_space<hbm>> -> memref<32x1024xf32, #tpu.memory_space<hbm>>
    tpu.wait_dma2 semaphore(%arg8 : memref<!tpu.dma_semaphore, #tpu.memory_space<semaphore_mem>>) src(%arg4 : memref<32x1024xf32, #tpu.memory_space<vmem>>) dst(%dma_wait3A_556 : memref<32x1024xf32, #tpu.memory_space<hbm>>)
    %add3A_557 = arith.constant 896 : i32
    %add3A_558 = arith.addi %mul3A_2, %add3A_557 : i32
    %dma_start3A_559 = arith.constant 0 : i32
    %dma_start3A_560 = tpu.memref_slice %arg2[%add3A_558, %dma_start3A_559] : memref<32768x1024xf32, #tpu.memory_space<hbm>> -> memref<32x1024xf32, #tpu.memory_space<hbm>>
    %dma_start3A_561 = arith.constant 0 : i32
    %dma_start3A_562 = tpu.memref_slice %arg2[%add3A_558, %dma_start3A_561] : memref<32768x1024xf32, #tpu.memory_space<hbm>> -> memref<32x1024xf32, #tpu.memory_space<hbm>>
    tpu.enqueue_dma source(%dma_start3A_562 : memref<32x1024xf32, #tpu.memory_space<hbm>>) target(%arg4 : memref<32x1024xf32, #tpu.memory_space<vmem>>) target_semaphore(%arg6 : memref<!tpu.dma_semaphore, #tpu.memory_space<semaphore_mem>>)
    %dma_wait3A_563 = arith.constant 0 : i32
    %dma_wait3A_564 = tpu.memref_slice %arg2[%add3A_558, %dma_wait3A_563] : memref<32768x1024xf32, #tpu.memory_space<hbm>> -> memref<32x1024xf32, #tpu.memory_space<hbm>>
    %dma_wait3A_565 = arith.constant 0 : i32
    %dma_wait3A_566 = tpu.memref_slice %arg2[%add3A_558, %dma_wait3A_565] : memref<32768x1024xf32, #tpu.memory_space<hbm>> -> memref<32x1024xf32, #tpu.memory_space<hbm>>
    tpu.wait_dma2 semaphore(%arg6 : memref<!tpu.dma_semaphore, #tpu.memory_space<semaphore_mem>>) src(%dma_wait3A_566 : memref<32x1024xf32, #tpu.memory_space<hbm>>) dst(%arg4 : memref<32x1024xf32, #tpu.memory_space<vmem>>)
    %add3A_567 = arith.constant 896 : i32
    %add3A_568 = arith.addi %mul3A_2, %add3A_567 : i32
    %dma_start3A_569 = arith.constant 0 : i32
    %dma_start3A_570 = tpu.memref_slice %arg3[%add3A_568, %dma_start3A_569] : memref<32768x1024xf32, #tpu.memory_space<hbm>> -> memref<32x1024xf32, #tpu.memory_space<hbm>>
    %dma_start3A_571 = arith.constant 0 : i32
    %dma_start3A_572 = tpu.memref_slice %arg3[%add3A_568, %dma_start3A_571] : memref<32768x1024xf32, #tpu.memory_space<hbm>> -> memref<32x1024xf32, #tpu.memory_space<hbm>>
    tpu.enqueue_dma source(%arg4 : memref<32x1024xf32, #tpu.memory_space<vmem>>) target(%dma_start3A_572 : memref<32x1024xf32, #tpu.memory_space<hbm>>) target_semaphore(%arg8 : memref<!tpu.dma_semaphore, #tpu.memory_space<semaphore_mem>>)
    %dma_wait3A_573 = arith.constant 0 : i32
    %dma_wait3A_574 = tpu.memref_slice %arg3[%add3A_548, %dma_wait3A_573] : memref<32768x1024xf32, #tpu.memory_space<hbm>> -> memref<32x1024xf32, #tpu.memory_space<hbm>>
    %dma_wait3A_575 = arith.constant 0 : i32
    %dma_wait3A_576 = tpu.memref_slice %arg3[%add3A_548, %dma_wait3A_575] : memref<32768x1024xf32, #tpu.memory_space<hbm>> -> memref<32x1024xf32, #tpu.memory_space<hbm>>
    tpu.wait_dma2 semaphore(%arg9 : memref<!tpu.dma_semaphore, #tpu.memory_space<semaphore_mem>>) src(%arg5 : memref<32x1024xf32, #tpu.memory_space<vmem>>) dst(%dma_wait3A_576 : memref<32x1024xf32, #tpu.memory_space<hbm>>)
    %add3A_577 = arith.constant 928 : i32
    %add3A_578 = arith.addi %mul3A_2, %add3A_577 : i32
    %dma_start3A_579 = arith.constant 0 : i32
    %dma_start3A_580 = tpu.memref_slice %arg2[%add3A_578, %dma_start3A_579] : memref<32768x1024xf32, #tpu.memory_space<hbm>> -> memref<32x1024xf32, #tpu.memory_space<hbm>>
    %dma_start3A_581 = arith.constant 0 : i32
    %dma_start3A_582 = tpu.memref_slice %arg2[%add3A_578, %dma_start3A_581] : memref<32768x1024xf32, #tpu.memory_space<hbm>> -> memref<32x1024xf32, #tpu.memory_space<hbm>>
    tpu.enqueue_dma source(%dma_start3A_582 : memref<32x1024xf32, #tpu.memory_space<hbm>>) target(%arg5 : memref<32x1024xf32, #tpu.memory_space<vmem>>) target_semaphore(%arg7 : memref<!tpu.dma_semaphore, #tpu.memory_space<semaphore_mem>>)
    %dma_wait3A_583 = arith.constant 0 : i32
    %dma_wait3A_584 = tpu.memref_slice %arg2[%add3A_578, %dma_wait3A_583] : memref<32768x1024xf32, #tpu.memory_space<hbm>> -> memref<32x1024xf32, #tpu.memory_space<hbm>>
    %dma_wait3A_585 = arith.constant 0 : i32
    %dma_wait3A_586 = tpu.memref_slice %arg2[%add3A_578, %dma_wait3A_585] : memref<32768x1024xf32, #tpu.memory_space<hbm>> -> memref<32x1024xf32, #tpu.memory_space<hbm>>
    tpu.wait_dma2 semaphore(%arg7 : memref<!tpu.dma_semaphore, #tpu.memory_space<semaphore_mem>>) src(%dma_wait3A_586 : memref<32x1024xf32, #tpu.memory_space<hbm>>) dst(%arg5 : memref<32x1024xf32, #tpu.memory_space<vmem>>)
    %add3A_587 = arith.constant 928 : i32
    %add3A_588 = arith.addi %mul3A_2, %add3A_587 : i32
    %dma_start3A_589 = arith.constant 0 : i32
    %dma_start3A_590 = tpu.memref_slice %arg3[%add3A_588, %dma_start3A_589] : memref<32768x1024xf32, #tpu.memory_space<hbm>> -> memref<32x1024xf32, #tpu.memory_space<hbm>>
    %dma_start3A_591 = arith.constant 0 : i32
    %dma_start3A_592 = tpu.memref_slice %arg3[%add3A_588, %dma_start3A_591] : memref<32768x1024xf32, #tpu.memory_space<hbm>> -> memref<32x1024xf32, #tpu.memory_space<hbm>>
    tpu.enqueue_dma source(%arg5 : memref<32x1024xf32, #tpu.memory_space<vmem>>) target(%dma_start3A_592 : memref<32x1024xf32, #tpu.memory_space<hbm>>) target_semaphore(%arg9 : memref<!tpu.dma_semaphore, #tpu.memory_space<semaphore_mem>>)
    %dma_wait3A_593 = arith.constant 0 : i32
    %dma_wait3A_594 = tpu.memref_slice %arg3[%add3A_568, %dma_wait3A_593] : memref<32768x1024xf32, #tpu.memory_space<hbm>> -> memref<32x1024xf32, #tpu.memory_space<hbm>>
    %dma_wait3A_595 = arith.constant 0 : i32
    %dma_wait3A_596 = tpu.memref_slice %arg3[%add3A_568, %dma_wait3A_595] : memref<32768x1024xf32, #tpu.memory_space<hbm>> -> memref<32x1024xf32, #tpu.memory_space<hbm>>
    tpu.wait_dma2 semaphore(%arg8 : memref<!tpu.dma_semaphore, #tpu.memory_space<semaphore_mem>>) src(%arg4 : memref<32x1024xf32, #tpu.memory_space<vmem>>) dst(%dma_wait3A_596 : memref<32x1024xf32, #tpu.memory_space<hbm>>)
    %add3A_597 = arith.constant 960 : i32
    %add3A_598 = arith.addi %mul3A_2, %add3A_597 : i32
    %dma_start3A_599 = arith.constant 0 : i32
    %dma_start3A_600 = tpu.memref_slice %arg2[%add3A_598, %dma_start3A_599] : memref<32768x1024xf32, #tpu.memory_space<hbm>> -> memref<32x1024xf32, #tpu.memory_space<hbm>>
    %dma_start3A_601 = arith.constant 0 : i32
    %dma_start3A_602 = tpu.memref_slice %arg2[%add3A_598, %dma_start3A_601] : memref<32768x1024xf32, #tpu.memory_space<hbm>> -> memref<32x1024xf32, #tpu.memory_space<hbm>>
    tpu.enqueue_dma source(%dma_start3A_602 : memref<32x1024xf32, #tpu.memory_space<hbm>>) target(%arg4 : memref<32x1024xf32, #tpu.memory_space<vmem>>) target_semaphore(%arg6 : memref<!tpu.dma_semaphore, #tpu.memory_space<semaphore_mem>>)
    %dma_wait3A_603 = arith.constant 0 : i32
    %dma_wait3A_604 = tpu.memref_slice %arg2[%add3A_598, %dma_wait3A_603] : memref<32768x1024xf32, #tpu.memory_space<hbm>> -> memref<32x1024xf32, #tpu.memory_space<hbm>>
    %dma_wait3A_605 = arith.constant 0 : i32
    %dma_wait3A_606 = tpu.memref_slice %arg2[%add3A_598, %dma_wait3A_605] : memref<32768x1024xf32, #tpu.memory_space<hbm>> -> memref<32x1024xf32, #tpu.memory_space<hbm>>
    tpu.wait_dma2 semaphore(%arg6 : memref<!tpu.dma_semaphore, #tpu.memory_space<semaphore_mem>>) src(%dma_wait3A_606 : memref<32x1024xf32, #tpu.memory_space<hbm>>) dst(%arg4 : memref<32x1024xf32, #tpu.memory_space<vmem>>)
    %add3A_607 = arith.constant 960 : i32
    %add3A_608 = arith.addi %mul3A_2, %add3A_607 : i32
    %dma_start3A_609 = arith.constant 0 : i32
    %dma_start3A_610 = tpu.memref_slice %arg3[%add3A_608, %dma_start3A_609] : memref<32768x1024xf32, #tpu.memory_space<hbm>> -> memref<32x1024xf32, #tpu.memory_space<hbm>>
    %dma_start3A_611 = arith.constant 0 : i32
    %dma_start3A_612 = tpu.memref_slice %arg3[%add3A_608, %dma_start3A_611] : memref<32768x1024xf32, #tpu.memory_space<hbm>> -> memref<32x1024xf32, #tpu.memory_space<hbm>>
    tpu.enqueue_dma source(%arg4 : memref<32x1024xf32, #tpu.memory_space<vmem>>) target(%dma_start3A_612 : memref<32x1024xf32, #tpu.memory_space<hbm>>) target_semaphore(%arg8 : memref<!tpu.dma_semaphore, #tpu.memory_space<semaphore_mem>>)
    %dma_wait3A_613 = arith.constant 0 : i32
    %dma_wait3A_614 = tpu.memref_slice %arg3[%add3A_588, %dma_wait3A_613] : memref<32768x1024xf32, #tpu.memory_space<hbm>> -> memref<32x1024xf32, #tpu.memory_space<hbm>>
    %dma_wait3A_615 = arith.constant 0 : i32
    %dma_wait3A_616 = tpu.memref_slice %arg3[%add3A_588, %dma_wait3A_615] : memref<32768x1024xf32, #tpu.memory_space<hbm>> -> memref<32x1024xf32, #tpu.memory_space<hbm>>
    tpu.wait_dma2 semaphore(%arg9 : memref<!tpu.dma_semaphore, #tpu.memory_space<semaphore_mem>>) src(%arg5 : memref<32x1024xf32, #tpu.memory_space<vmem>>) dst(%dma_wait3A_616 : memref<32x1024xf32, #tpu.memory_space<hbm>>)
    %add3A_617 = arith.constant 992 : i32
    %add3A_618 = arith.addi %mul3A_2, %add3A_617 : i32
    %dma_start3A_619 = arith.constant 0 : i32
    %dma_start3A_620 = tpu.memref_slice %arg2[%add3A_618, %dma_start3A_619] : memref<32768x1024xf32, #tpu.memory_space<hbm>> -> memref<32x1024xf32, #tpu.memory_space<hbm>>
    %dma_start3A_621 = arith.constant 0 : i32
    %dma_start3A_622 = tpu.memref_slice %arg2[%add3A_618, %dma_start3A_621] : memref<32768x1024xf32, #tpu.memory_space<hbm>> -> memref<32x1024xf32, #tpu.memory_space<hbm>>
    tpu.enqueue_dma source(%dma_start3A_622 : memref<32x1024xf32, #tpu.memory_space<hbm>>) target(%arg5 : memref<32x1024xf32, #tpu.memory_space<vmem>>) target_semaphore(%arg7 : memref<!tpu.dma_semaphore, #tpu.memory_space<semaphore_mem>>)
    %dma_wait3A_623 = arith.constant 0 : i32
    %dma_wait3A_624 = tpu.memref_slice %arg2[%add3A_618, %dma_wait3A_623] : memref<32768x1024xf32, #tpu.memory_space<hbm>> -> memref<32x1024xf32, #tpu.memory_space<hbm>>
    %dma_wait3A_625 = arith.constant 0 : i32
    %dma_wait3A_626 = tpu.memref_slice %arg2[%add3A_618, %dma_wait3A_625] : memref<32768x1024xf32, #tpu.memory_space<hbm>> -> memref<32x1024xf32, #tpu.memory_space<hbm>>
    tpu.wait_dma2 semaphore(%arg7 : memref<!tpu.dma_semaphore, #tpu.memory_space<semaphore_mem>>) src(%dma_wait3A_626 : memref<32x1024xf32, #tpu.memory_space<hbm>>) dst(%arg5 : memref<32x1024xf32, #tpu.memory_space<vmem>>)
    %add3A_627 = arith.constant 992 : i32
    %add3A_628 = arith.addi %mul3A_2, %add3A_627 : i32
    %dma_start3A_629 = arith.constant 0 : i32
    %dma_start3A_630 = tpu.memref_slice %arg3[%add3A_628, %dma_start3A_629] : memref<32768x1024xf32, #tpu.memory_space<hbm>> -> memref<32x1024xf32, #tpu.memory_space<hbm>>
    %dma_start3A_631 = arith.constant 0 : i32
    %dma_start3A_632 = tpu.memref_slice %arg3[%add3A_628, %dma_start3A_631] : memref<32768x1024xf32, #tpu.memory_space<hbm>> -> memref<32x1024xf32, #tpu.memory_space<hbm>>
    tpu.enqueue_dma source(%arg5 : memref<32x1024xf32, #tpu.memory_space<vmem>>) target(%dma_start3A_632 : memref<32x1024xf32, #tpu.memory_space<hbm>>) target_semaphore(%arg9 : memref<!tpu.dma_semaphore, #tpu.memory_space<semaphore_mem>>)
    %dma_wait3A_633 = arith.constant 0 : i32
    %dma_wait3A_634 = tpu.memref_slice %arg3[%add3A_608, %dma_wait3A_633] : memref<32768x1024xf32, #tpu.memory_space<hbm>> -> memref<32x1024xf32, #tpu.memory_space<hbm>>
    %dma_wait3A_635 = arith.constant 0 : i32
    %dma_wait3A_636 = tpu.memref_slice %arg3[%add3A_608, %dma_wait3A_635] : memref<32768x1024xf32, #tpu.memory_space<hbm>> -> memref<32x1024xf32, #tpu.memory_space<hbm>>
    tpu.wait_dma2 semaphore(%arg8 : memref<!tpu.dma_semaphore, #tpu.memory_space<semaphore_mem>>) src(%arg4 : memref<32x1024xf32, #tpu.memory_space<vmem>>) dst(%dma_wait3A_636 : memref<32x1024xf32, #tpu.memory_space<hbm>>)
    %dma_wait3A_637 = arith.constant 0 : i32
    %dma_wait3A_638 = tpu.memref_slice %arg3[%add3A_628, %dma_wait3A_637] : memref<32768x1024xf32, #tpu.memory_space<hbm>> -> memref<32x1024xf32, #tpu.memory_space<hbm>>
    %dma_wait3A_639 = arith.constant 0 : i32
    %dma_wait3A_640 = tpu.memref_slice %arg3[%add3A_628, %dma_wait3A_639] : memref<32768x1024xf32, #tpu.memory_space<hbm>> -> memref<32x1024xf32, #tpu.memory_space<hbm>>
    tpu.wait_dma2 semaphore(%arg9 : memref<!tpu.dma_semaphore, #tpu.memory_space<semaphore_mem>>) src(%arg5 : memref<32x1024xf32, #tpu.memory_space<vmem>>) dst(%dma_wait3A_640 : memref<32x1024xf32, #tpu.memory_space<hbm>>)
    return
  }
}

</mosaic_0001>

<sc_bundles>
// kernel: kernel.3.cloned.1.call-start
scs
__scs_entry_jumppad:
0x0: {  	(pc) =	sbr.rel $0x88, $3  }
0x1: {  	(tag) =	ssettag $0x0;
	lr =	simm.s32 $0x1  }
0x2: {  	[smem:$0x3FA0] =	sst lr;
	_ =	strace $0xD0000000  }
0x3: {  	_ = 	snop  }
0x4: {  	_ = 	snop  }
0x5: {  	_ = 	snop  }
0x6: {  	_ = 	snop  }
0x7: {  	_ = 	snop  }
__scs_overlays_trampoline_lowered:
0x8: {  	[smem:$0x3FAF] =	sst s0  }
0x9: {  	[smem:$0x3FB0] =	sst s1  }
0xa: {  	[smem:$0x3FB1] =	sst s2  }
0xb: {  	[smem:$0x3FB2] =	sst s3  }
0xc: {  	[smem:$0x3FB3] =	sst s4  }
0xd: {  	[smem:$0x3FB4] =	sst s5  }
0xe: {  	[smem:$0x3FB5] =	sst s6  }
0xf: {  	[smem:$0x3FB6] =	sst s7  }
0x10: {  	[smem:$0x3FB7] =	sst s8  }
0x11: {  	[smem:$0x3FB8] =	sst s9;
	s0 =	simm.s32 @!p0 $0x0  }
0x12: {  	s1 =	sld [smem:$0x3F9E];
	s0 =	simm.s32 @p0 $0x1  }
0x13: {  	[smem:$0x3FB9] =	sst s0;
	s0 =	simm.s32 @!p1 $0x0  }
0x14: {  	s2 =	sld [smem:$0x3F9D];
	s0 =	simm.s32 @p1 $0x1  }
0x15: {  	[smem:$0x3FBA] =	sst s0;
	s0 =	simm.s32 @!p2 $0x0  }
0x16: {  	s3 =	sld [smem:$0x3FDB];
	s0 =	simm.s32 @p2 $0x1  }
0x17: {  	s4 =	simm.s32 $0x1BF5;
	[smem:$0x3FBC] =	sst s0  }
0x18: {  	s0 =	sld [smem:$0x3F9F];
	_ =	swait.ge [sflag:s4], $0x0  }
0x19: {  	s7 =	sld [smem:$0x3FA0]  }
0x1a: {  	s8 =	sadd.s32 $0xFFFFE003, lr  }
0x1b: {  	s9 =	sadd.s32 $0xFFFFFEF7, lr;
	s5 =	simm.s32 $0xFFFFFFFF;
	p2 =	slt.u32 s8, $0xFFFFF086  }
0x1c: {  	p1 =	slt.u32 s9, $0xF7A;
	s5 =	simm.s32 @!p2 $0x0  }
0x1d: {  	s5 =	simm.s32 @p1 $0x1;
	p0 =	seq.s32 s7, s2  }
0x1e: {  	s7 =	smul.u32 @!p0 $0xF7A, s2;
	p2 =	seq.s32 @!p0 s5, $0x0  }
0x1f: {  	s9 =	smul.u32 $0xF7A, s1;
	s8 =	simm.s32 @!p0 $0x1BF5;
	p2 =	por !p2, p0  }
0x20: {  	[sflag:s8] =	ssyncset.s32 @!p0 $0xFFFFF086;
	s6 =	sadd.s32 @!p0 s3, s7;
	s7 =	simm.s32 @!p0 $0x108  }
0x21: {  	s3 =	sadd.s32 s3, s9;
	s6 =	sadd.s32 @!p0 $0x88, s6;
	s7 =	simm.s32 @p2 $0x1082  }
0x22: {  	[simem:s7], [sflag:s8] =	dma.local @!p0 [hbm:s6], $0xF7A  }
0x23: {  	s9 =	sor.u32 $0xD0000000, s2;
	s6 =	simm.s32 $0x108;
	_ =	swait.ge @!p0 [sflag:s8], $0x0  }
0x24: {  	s3 =	sadd.s32 $0x88, s3;
	s6 =	simm.s32 @!p1 $0x1082;
	[sflag:s4] =	ssyncset.s32 $0xFFFFF086  }
0x25: {  	[simem:s6], [sflag:s4] =	dma.local [hbm:s3], $0xF7A  }
0x26: {  	[smem:$0x3FA0] =	sst s1;
	(tag) =	ssettag s2;
	_ =	strace s9  }
0x27: {  	s1 =	sld [smem:$0x3FB0]  }
0x28: {  	s2 =	sld [smem:$0x3FB1]  }
0x29: {  	s4 =	sld [smem:$0x3FB3]  }
0x2a: {  	p0 =	seq.s32 s5, $0x0;
	s5 =	sld [smem:$0x3FB4]  }
0x2b: {  	s6 =	sld [smem:$0x3FB5]  }
0x2c: {  	s7 =	sld [smem:$0x3FB6]  }
0x2d: {  	s3 =	simm.s32 $0x108;
	s8 =	sld [smem:$0x3FB7]  }
0x2e: {  	s3 =	simm.s32 @!p0 $0x1082;
	s9 =	sld [smem:$0x3FB8]  }
0x2f: {  	lr =	sadd.s32 s0, s3;
	s0 =	sld [smem:$0x3FAF]  }
0x30: {  	s3 =	sld [smem:$0x3FB2]  }
0x31: {  	[smem:$0x3FBB] =	sst s10  }
0x32: {  	s10 =	sld [smem:$0x3FB9];
	_ =	sdelay $0x3  }
0x33: {  	p0 =	seq.s32 s10, $0x1;
	s10 =	sld [smem:$0x3FBB];
	_ =	sdelay $0x3  }
0x34: {  	[smem:$0x3FBB] =	sst s10  }
0x35: {  	s10 =	sld [smem:$0x3FBA];
	_ =	sdelay $0x3  }
0x36: {  	p1 =	seq.s32 s10, $0x1;
	s10 =	sld [smem:$0x3FBB];
	_ =	sdelay $0x3  }
0x37: {  	[smem:$0x3FBB] =	sst s10  }
0x38: {  	s10 =	sld [smem:$0x3FBC]  }
0x39: {  	_ = 	snop;
	(pc) =	sbr.ind lr, $3  }
0x3a: {  	_ = 	snop  }
0x3b: {  	_ = 	snop  }
0x3c: {  	p2 =	seq.s32 s10, $0x1;
	s10 =	sld [smem:$0x3FBB]  }
0x3d: {  	_ =	shalt  }
0x3e: {  	_ =	shalt  }
0x3f: {  	_ =	shalt  }
0x40: {  	_ =	shalt  }
0x41: {  	_ =	shalt  }
0x42: {  	_ =	shalt  }
0x43: {  	_ =	shalt  }
0x44: {  	_ =	shalt  }
0x45: {  	_ =	shalt  }
0x46: {  	_ =	shalt  }
0x47: {  	_ =	shalt  }
0x48: {  	_ =	shalt  }
0x49: {  	_ =	shalt  }
0x4a: {  	_ =	shalt  }
0x4b: {  	_ =	shalt  }
0x4c: {  	_ =	shalt  }
0x4d: {  	_ =	shalt  }
0x4e: {  	_ =	shalt  }
0x4f: {  	_ =	shalt  }
0x50: {  	_ =	shalt  }
0x51: {  	_ =	shalt  }
0x52: {  	_ =	shalt  }
0x53: {  	_ =	shalt  }
0x54: {  	_ =	shalt  }
0x55: {  	_ =	shalt  }
0x56: {  	_ =	shalt  }
0x57: {  	_ =	shalt  }
0x58: {  	_ =	shalt  }
0x59: {  	_ =	shalt  }
0x5a: {  	_ =	shalt  }
0x5b: {  	_ =	shalt  }
0x5c: {  	_ =	shalt  }
0x5d: {  	_ =	shalt  }
0x5e: {  	_ =	shalt  }
0x5f: {  	_ =	shalt  }
0x60: {  	_ =	shalt  }
0x61: {  	_ =	shalt  }
0x62: {  	_ =	shalt  }
0x63: {  	_ =	shalt  }
0x64: {  	_ =	shalt  }
0x65: {  	_ =	shalt  }
0x66: {  	_ =	shalt  }
0x67: {  	_ =	shalt  }
0x68: {  	_ =	shalt  }
0x69: {  	_ =	shalt  }
0x6a: {  	_ =	shalt  }
0x6b: {  	_ =	shalt  }
0x6c: {  	_ =	shalt  }
0x6d: {  	_ =	shalt  }
0x6e: {  	_ =	shalt  }
0x6f: {  	_ =	shalt  }
0x70: {  	_ =	shalt  }
0x71: {  	_ =	shalt  }
0x72: {  	_ =	shalt  }
0x73: {  	_ =	shalt  }
0x74: {  	_ =	shalt  }
0x75: {  	_ =	shalt  }
0x76: {  	_ =	shalt  }
0x77: {  	_ =	shalt  }
0x78: {  	_ =	shalt  }
0x79: {  	_ =	shalt  }
0x7a: {  	_ =	shalt  }
0x7b: {  	_ =	shalt  }
0x7c: {  	_ =	shalt  }
0x7d: {  	_ =	shalt  }
0x7e: {  	_ =	shalt  }
0x7f: {  	_ =	shalt  }
0x80: {  	_ =	shalt  }
0x81: {  	_ =	shalt  }
0x82: {  	_ =	shalt  }
0x83: {  	_ =	shalt  }
0x84: {  	_ =	shalt  }
0x85: {  	_ =	shalt  }
0x86: {  	_ =	shalt  }
0x87: {  	_ =	shalt  }
.Lfunc_end0:
.L_simem_size_0:
called_computation_lowered:
.L_overlay_start_0:
0x88: {  	s2 =	sld [smem:$0x3FD9]  }
0x89: {  	s3 =	sld [smem:$0x3FFE];
	_ =	sdelay $0x1  }
0x8a: {  	s1 =	srdreg.scid  }
0x8b: {  	s0 =	sand.u32 $0x1, s1  }
0x8c: {  	s18 =	sshll.u32 s0, $0xA;
	s2 =	sadd.s32 s3, s2  }
0x8d: {  	s2 =	sadd.s32 s2, s18  }
0x8e: {  	[smem:$0x3FC7] =	sst s2  }
0x8f: {  	_ = 	snop  }
0x90: {  	s2 =	sld [smem:$0x3FC9]  }
0x91: {  	s19 =	sld [smem:$0x3FD0];
	(tm) =	ssettm $0x1  }
0x92: {  	s4 =	sld [smem:$0x3FFB];
	_ =	sdelay $0x3  }
0x93: {  	_ =	strace s4  }
0x94: {  	s4 =	sld [smem:$0x3FFC];
	_ =	sdelay $0x3  }
0x95: {  	_ =	strace s4  }
0x96: {  	s4 =	sld [smem:$0x3FFD];
	_ =	sdelay $0x3  }
0x97: {  	_ =	strace s4  }
0x98: {  	_ =	strace $0x8FFFFFFF  }
0x99: {  	s20 =	sld [smem:$0x3FDB];
	_ =	sdelay $0x1  }
0x9a: {  	s5 =	simm.s32 $_scs_section_size  }
0x9b: {  	s6 =	simm.s32 $_size__tile_overlayer_lowered;
	s7 =	simm.s32 $_tile_overlayer_lowered  }
0x9c: {  	s23 =	simm.s32 $0x1BFF;
	s22 =	sshll.u32 s7, $0x1;
	s4 =	sadd.s32 s5, s20  }
0x9d: {  	s8 =	simm.s32 $0x0;
	s21 =	sshll.u32 s6, $0x1;
	s6 =	sadd.s32 s22, s4  }
0x9e: {  	[timem:s8], [sflag:s23] =	dma.local [hbm:s6], s21  }
0x9f: {  	_ =	swait.ge [sflag:s23], s21  }
0xa0: {  	s5 =	ssub.s32 $0x0, s21;
	[sflag:s23] =	ssyncset.done $0x0  }
0xa1: {  	[sflag:s23] =	ssyncadd.s32 s5;
	_ =	sdelay $0x1  }
0xa2: {  	s24 =	simm.s32 $0x1B8B  }
0xa3: {  	_ =	swait.ge [sflag:s24], $0x1  }
0xa4: {  	[sflag:s24] =	ssyncset.done $0x0  }
0xa5: {  	s25 =	simm.s32 $0x1B8E;
	[sflag:s24] =	ssyncadd.s32 $0xFFFFFFFF  }
0xa6: {  	s26 =	simm.s32 $execute0_lowered;
	[smem:$0x3FD2] =	sst s25  }
0xa7: {  	s5 =	sshll.u32 s26, $0x1;
	_ =	strace $0x80000046;
	[dreg:$0x1] =	wrdreg $0xFFFFFFFF  }
0xa8: {  	s28 =	simm.s32 $_size_execute0_lowered;
	s4 =	sadd.s32 s4, s5;
	[dreg:$0x0] =	wrdreg $0x0  }
0xa9: {  	s5 =	sshll.u32 s28, $0x1;
	[dreg:$0x2] =	wrdreg s4  }
0xaa: {  	[dreg:$0x3] =	wrdreg s5  }
0xab: {  	[dreg:$0x4] =	wrdreg $0xC0  }
0xac: {  	_ =	task [dreg:s8], $0x5FFFF  }
0xad: {  	[dreg:$0x1] =	wrdreg $0xFFFFFFFF  }
0xae: {  	[dreg:$0x0] =	wrdreg $0x60  }
0xaf: {  	[dreg:$0x2] =	wrdreg s2  }
0xb0: {  	[dreg:$0x3] =	wrdreg s19  }
0xb1: {  	[dreg:$0x4] =	wrdreg $0x9  }
0xb2: {  	_ =	task.clear_ibuf [dreg:s8], $0x5FFFF;
	_ =	strace $0x90000046  }
0xb3: {  	s29 =	simm.s32 $0x9;
	_ =	strace $0x80000048  }
0xb4: {  	_ =	swait.ge [sflag:s29], $0x1  }
0xb5: {  	[sflag:s29] =	ssyncadd.s32 $0xFFFFFFFF  }
0xb6: {  	_ =	strace $0x90000048  }
0xb7: {  	_ =	sfence  }
0xb8: {  	s30 =	sld [smem:$0x0];
	_ =	sdelay $0x2  }
0xb9: {  	s31 =	sshll.u32 s1, $0xD;
	s1 =	sshrl.u32 s1, $0x2  }
0xba: {  	s3 =	sand.u32 $0x4000, s31;
	s1 =	sadd.s32 s1, s30  }
0xbb: {  	s0 =	sor.u32 s3, s0;
	s1 =	sshll.u32 s1, $0x11  }
0xbc: {  	s0 =	sor.u32 s1, s0  }
0xbd: {  	s0 =	sadd.s32 $0x8F2B, s0  }
0xbe: {  	[sflag:s0] =	ssyncadd.remote.s32 $0x1  }
0xbf: {  	_ =	sfence.sel $0xFFFF  }
0xc0: {  	[dreg:$0x0] =	wrdreg $0xFFFFFFFF;
	(pc) =	sbr.abs _section_cstart, $3  }
0xc1: {  	[dreg:$0x1] =	wrdreg $0xFFFFFFFF  }
0xc2: {  	_ =	task.clear_ibuf [dreg:s8], $0x2FFFF;
	_ =	strace $0x9FFFFFFF  }
0xc3: {  	(tm) =	ssettm $0x7FFFFFFF  }
tec
execute0_lowered:
.L_overlay_start_1:
0x0: {  	(tag) =	ssettag $0x1  }
0x1: {  	s1 =	srdreg.scid  }
0x2: {  	s0 =	rddreg [dreg:$0x0];
	s4 =	stileid.u32;
	s5 =	sand.u32 $0x1, s1  }
0x3: {  	s2 =	simm.s32 $0x0;
	s11 =	sshll.u32 s4, $0x12;
	s12 =	sshll.u32 s5, $0x11  }
0x4: {  	[smem:$0x7FF] =	sst s2;
	s4 =	sor.u32 s12, s11  }
0x5: {  	s3 =	rddreg [dreg:$0x1];
	_ =	strace $0x80000047;
	s1 =	sadd.s32 s0, s4  }
0x6: {  	s13 =	sadd.s32 s3, s4;
	s6 =	sor.u32 $0x1000, s4;
	[dreg:$0x3] =	wrdreg s1  }
0x7: {  	[dreg:$0x4] =	wrdreg s13;
	s14 =	sadd.s32 s0, s6  }
0x8: {  	s16 =	sor.u32 $0x2000, s4;
	s15 =	sadd.s32 s3, s6;
	[dreg:$0x5] =	wrdreg s14  }
0x9: {  	s17 =	sadd.s32 s0, s16;
	[dreg:$0x6] =	wrdreg s15  }
0xa: {  	s19 =	sor.u32 $0x3000, s4;
	s18 =	sadd.s32 s3, s16;
	[dreg:$0x7] =	wrdreg s17  }
0xb: {  	s20 =	sadd.s32 s0, s19;
	[dreg:$0x8] =	wrdreg s18  }
0xc: {  	s22 =	sor.u32 $0x4000, s4;
	s21 =	sadd.s32 s3, s19;
	[dreg:$0x9] =	wrdreg s20  }
0xd: {  	s23 =	sadd.s32 s0, s22;
	[dreg:$0xa] =	wrdreg s21  }
0xe: {  	s25 =	sor.u32 $0x5000, s4;
	s24 =	sadd.s32 s3, s22;
	[dreg:$0xb] =	wrdreg s23  }
0xf: {  	s26 =	sadd.s32 s0, s25;
	[dreg:$0xc] =	wrdreg s24  }
0x10: {  	s7 =	sor.u32 $0x6000, s4;
	s6 =	sadd.s32 s3, s25;
	[dreg:$0xd] =	wrdreg s26  }
0x11: {  	s8 =	sadd.s32 s0, s7;
	[dreg:$0xe] =	wrdreg s6  }
0x12: {  	s10 =	sor.u32 $0x7000, s4;
	s9 =	sadd.s32 s3, s7;
	[dreg:$0xf] =	wrdreg s8  }
0x13: {  	s11 =	sadd.s32 s0, s10;
	[dreg:$0x10] =	wrdreg s9  }
0x14: {  	s12 =	sadd.s32 s3, s10;
	[dreg:$0x11] =	wrdreg s11  }
0x15: {  	s13 =	sor.u32 $0x8000, s4;
	[dreg:$0x12] =	wrdreg s12  }
0x16: {  	s14 =	sadd.s32 s0, s13;
	s1 =	rddreg [dreg:$0x3]  }
0x17: {  	s16 =	sor.u32 $0x9000, s4;
	s15 =	sadd.s32 s3, s13;
	[dreg:$0x13] =	wrdreg s14  }
0x18: {  	p0 =	por $0x0, $0x0;
	s17 =	sadd.s32 s0, s16;
	[dreg:$0x14] =	wrdreg s15  }
0x19: {  	s19 =	sor.u32 $0xA000, s4;
	s18 =	sadd.s32 s3, s16;
	[dreg:$0x15] =	wrdreg s17  }
0x1a: {  	s5 =	ssub.s32 $0x2, s5;
	s20 =	sadd.s32 s0, s19;
	[dreg:$0x16] =	wrdreg s18  }
0x1b: {  	s22 =	sor.u32 $0xB000, s4;
	s21 =	sadd.s32 s3, s19;
	[dreg:$0x17] =	wrdreg s20  }
0x1c: {  	s25 =	sor.u32 $0xC000, s4;
	s23 =	sadd.s32 s0, s22;
	[dreg:$0x18] =	wrdreg s21  }
0x1d: {  	s7 =	sor.u32 $0xD000, s4;
	s24 =	sadd.s32 s3, s22;
	[dreg:$0x19] =	wrdreg s23  }
0x1e: {  	s10 =	sor.u32 $0xE000, s4;
	s26 =	sadd.s32 s0, s25;
	[dreg:$0x1a] =	wrdreg s24  }
0x1f: {  	s6 =	sadd.s32 s3, s25;
	s8 =	sadd.s32 s0, s7;
	[dreg:$0x1b] =	wrdreg s26  }
0x20: {  	s9 =	sadd.s32 s3, s7;
	s11 =	sadd.s32 s0, s10;
	[dreg:$0x1c] =	wrdreg s6  }
0x21: {  	s12 =	sadd.s32 s3, s10;
	s13 =	sor.u32 $0xF000, s4;
	[dreg:$0x1d] =	wrdreg s8  }
0x22: {  	s16 =	sor.u32 $0x10000, s4;
	s19 =	sor.u32 $0x11000, s4;
	[dreg:$0x1e] =	wrdreg s9  }
0x23: {  	s22 =	sor.u32 $0x12000, s4;
	s25 =	sor.u32 $0x13000, s4;
	[dreg:$0x1f] =	wrdreg s11  }
0x24: {  	s7 =	sshrl.u32 s5, $0x1;
	[smem:$0x7F2] =	sst s12;
	s14 =	sadd.s32 s0, s13  }
0x25: {  	s10 =	sor.u32 $0x15000, s4;
	s15 =	sadd.s32 s3, s13;
	[smem:$0x7F3] =	sst s14  }
0x26: {  	s17 =	sadd.s32 s0, s16;
	s18 =	sadd.s32 s3, s16;
	[smem:$0x7F4] =	sst s15  }
0x27: {  	s20 =	sadd.s32 s0, s19;
	s21 =	sadd.s32 s3, s19;
	[smem:$0x7F5] =	sst s17  }
0x28: {  	s23 =	sadd.s32 s0, s22;
	s24 =	sadd.s32 s3, s22;
	[smem:$0x7F6] =	sst s18  }
0x29: {  	s26 =	sadd.s32 s0, s25;
	s6 =	sadd.s32 s3, s25;
	[smem:$0x7F7] =	sst s20  }
0x2a: {  	s8 =	sor.u32 $0x14000, s4;
	s5 =	ssub.s32 s5, s7;
	[smem:$0x7F8] =	sst s21  }
0x2b: {  	s30 =	sadd.s32 s0, s10;
	s29 =	sadd.s32 s3, s10;
	[smem:$0x7F9] =	sst s23  }
0x2c: {  	s11 =	sor.u32 $0x16000, s4;
	s12 =	sor.u32 $0x17000, s4;
	[smem:$0x7FA] =	sst s24  }
0x2d: {  	s13 =	sor.u32 $0x18000, s4;
	s16 =	sor.u32 $0x1B000, s4;
	[smem:$0x7FB] =	sst s26  }
0x2e: {  	s7 =	sor.u32 $0x1D000, s4;
	s10 =	sor.u32 $0x1F000, s4;
	[smem:$0x7FC] =	sst s6  }
0x2f: {  	s9 =	sadd.s32 s0, s8;
	s31 =	sadd.s32 s3, s8;
	s28 =	sadd.s32 s0, s11  }
0x30: {  	s26 =	sadd.s32 s3, s11;
	s25 =	sadd.s32 s0, s12;
	s24 =	sadd.s32 s3, s12  }
0x31: {  	s23 =	sadd.s32 s0, s13;
	s22 =	sadd.s32 s3, s13;
	s14 =	sor.u32 $0x19000, s4  }
0x32: {  	s15 =	sor.u32 $0x1A000, s4;
	s17 =	sadd.s32 s0, s16;
	s16 =	sadd.s32 s3, s16  }
0x33: {  	s6 =	sor.u32 $0x1C000, s4;
	s12 =	sadd.s32 s0, s7;
	s11 =	sadd.s32 s3, s7  }
0x34: {  	s8 =	sor.u32 $0x1E000, s4;
	s4 =	sadd.s32 s0, s10;
	s13 =	smax.u32 s5, $0x1  }
0x35: {  	s7 =	simm.s32 $0x3;
	s5 =	simm.s32 $0x4;
	p1 =	sne.s32 s13, $0x1  }
.Ltmp0:
0x36: {  	[smem:$0x7FD] =	sst s9;
	s21 =	sadd.s32 s0, s14;
	(pc) =	sbr.rel @!p1 .LBB2_3-.Ltmp0, $4  }
0x37: {  	s20 =	sadd.s32 s3, s14;
	s19 =	sadd.s32 s0, s15;
	s18 =	sadd.s32 s3, s15  }
0x38: {  	s15 =	sadd.s32 s0, s6;
	s14 =	sadd.s32 s3, s6;
	s9 =	sadd.s32 s0, s8  }
0x39: {  	s6 =	sadd.s32 s3, s8;
	s3 =	sadd.s32 s3, s10;
	s0 =	sadd.s32 $0xFFFFFFFF, s13  }
0x3a: {  	s13 =	simm.s32 $0x1;
	s8 =	simm.s32 $0x8000;
	s10 =	simm.s32 $0x2  }
0x3b: {  	[tilespmem:s2], [sflag:$0x1] =	stream.linear.gather [hbm4b:s1+s2], $0x8000, $0x38;
	[tilespmem:$0x10000] =	vst v63  }
0x3c: {  	_ =	swait.ge [sflag:s13], $0x8000  }
0x3d: {  	s1 =	rddreg [dreg:$0x4];
	[sflag:s13] =	ssyncset.done $0x0  }
0x3e: {  	[smem:$0x7F1] =	sst s0;
	[sflag:s13] =	ssyncadd.s32 $0xFFFF8000  }
0x3f: {  	[hbm4b:s1+s2] =	stream.linear.scatter [tilespmem:s2], [sflag:$0x3], $0x8000, $0x38;
	[tilespmem:$0x10000] =	vst v63  }
0x40: {  	s0 =	rddreg [dreg:$0x5]  }
0x41: {  	[tilespmem:s8], [sflag:$0x2] =	stream.linear.gather [hbm4b:s0+s2], $0x8000, $0x38;
	[tilespmem:$0x10000] =	vst v63  }
0x42: {  	_ =	swait.ge [sflag:s10], $0x8000  }
0x43: {  	[sflag:s10] =	ssyncset.done $0x0  }
0x44: {  	s1 =	rddreg [dreg:$0x6];
	[sflag:s10] =	ssyncadd.s32 $0xFFFF8000  }
0x45: {  	[hbm4b:s1+s2] =	stream.linear.scatter [tilespmem:s8], [sflag:$0x4], $0x8000, $0x38;
	[tilespmem:$0x10000] =	vst v63  }
0x46: {  	_ =	swait.ge [sflag:s7], $0x8000  }
0x47: {  	[sflag:s7] =	ssyncset.done $0x0  }
0x48: {  	s1 =	rddreg [dreg:$0x7];
	[sflag:s7] =	ssyncadd.s32 $0xFFFF8000  }
0x49: {  	[tilespmem:s2], [sflag:$0x1] =	stream.linear.gather [hbm4b:s1+s2], $0x8000, $0x38;
	[tilespmem:$0x10000] =	vst v63  }
0x4a: {  	_ =	swait.ge [sflag:s13], $0x8000  }
0x4b: {  	[sflag:s13] =	ssyncset.done $0x0  }
0x4c: {  	s1 =	rddreg [dreg:$0x8];
	[sflag:s13] =	ssyncadd.s32 $0xFFFF8000  }
0x4d: {  	[hbm4b:s1+s2] =	stream.linear.scatter [tilespmem:s2], [sflag:$0x3], $0x8000, $0x38;
	[tilespmem:$0x10000] =	vst v63  }
0x4e: {  	_ =	swait.ge [sflag:s5], $0x8000  }
0x4f: {  	[sflag:s5] =	ssyncset.done $0x0  }
0x50: {  	s1 =	rddreg [dreg:$0x9];
	[sflag:s5] =	ssyncadd.s32 $0xFFFF8000  }
0x51: {  	[tilespmem:s8], [sflag:$0x2] =	stream.linear.gather [hbm4b:s1+s2], $0x8000, $0x38;
	[tilespmem:$0x10000] =	vst v63  }
0x52: {  	_ =	swait.ge [sflag:s10], $0x8000  }
0x53: {  	[sflag:s10] =	ssyncset.done $0x0  }
0x54: {  	s1 =	rddreg [dreg:$0xa];
	[sflag:s10] =	ssyncadd.s32 $0xFFFF8000  }
0x55: {  	[hbm4b:s1+s2] =	stream.linear.scatter [tilespmem:s8], [sflag:$0x4], $0x8000, $0x38;
	[tilespmem:$0x10000] =	vst v63  }
0x56: {  	_ =	swait.ge [sflag:s7], $0x8000  }
0x57: {  	[sflag:s7] =	ssyncset.done $0x0  }
0x58: {  	s1 =	rddreg [dreg:$0xb];
	[sflag:s7] =	ssyncadd.s32 $0xFFFF8000  }
0x59: {  	[tilespmem:s2], [sflag:$0x1] =	stream.linear.gather [hbm4b:s1+s2], $0x8000, $0x38;
	[tilespmem:$0x10000] =	vst v63  }
0x5a: {  	_ =	swait.ge [sflag:s13], $0x8000  }
0x5b: {  	[sflag:s13] =	ssyncset.done $0x0  }
0x5c: {  	s1 =	rddreg [dreg:$0xc];
	[sflag:s13] =	ssyncadd.s32 $0xFFFF8000  }
0x5d: {  	[hbm4b:s1+s2] =	stream.linear.scatter [tilespmem:s2], [sflag:$0x3], $0x8000, $0x38;
	[tilespmem:$0x10000] =	vst v63  }
0x5e: {  	_ =	swait.ge [sflag:s5], $0x8000  }
0x5f: {  	[sflag:s5] =	ssyncset.done $0x0  }
0x60: {  	s1 =	rddreg [dreg:$0xd];
	[sflag:s5] =	ssyncadd.s32 $0xFFFF8000  }
0x61: {  	[tilespmem:s8], [sflag:$0x2] =	stream.linear.gather [hbm4b:s1+s2], $0x8000, $0x38;
	[tilespmem:$0x10000] =	vst v63  }
0x62: {  	_ =	swait.ge [sflag:s10], $0x8000  }
0x63: {  	[sflag:s10] =	ssyncset.done $0x0  }
0x64: {  	s1 =	rddreg [dreg:$0xe];
	[sflag:s10] =	ssyncadd.s32 $0xFFFF8000  }
0x65: {  	[hbm4b:s1+s2] =	stream.linear.scatter [tilespmem:s8], [sflag:$0x4], $0x8000, $0x38;
	[tilespmem:$0x10000] =	vst v63  }
0x66: {  	_ =	swait.ge [sflag:s7], $0x8000  }
0x67: {  	[sflag:s7] =	ssyncset.done $0x0  }
0x68: {  	s1 =	rddreg [dreg:$0xf];
	[sflag:s7] =	ssyncadd.s32 $0xFFFF8000  }
0x69: {  	[tilespmem:s2], [sflag:$0x1] =	stream.linear.gather [hbm4b:s1+s2], $0x8000, $0x38;
	[tilespmem:$0x10000] =	vst v63  }
0x6a: {  	_ =	swait.ge [sflag:s13], $0x8000  }
0x6b: {  	[sflag:s13] =	ssyncset.done $0x0  }
0x6c: {  	s1 =	rddreg [dreg:$0x10];
	[sflag:s13] =	ssyncadd.s32 $0xFFFF8000  }
0x6d: {  	[hbm4b:s1+s2] =	stream.linear.scatter [tilespmem:s2], [sflag:$0x3], $0x8000, $0x38;
	[tilespmem:$0x10000] =	vst v63  }
0x6e: {  	_ =	swait.ge [sflag:s5], $0x8000  }
0x6f: {  	[sflag:s5] =	ssyncset.done $0x0  }
0x70: {  	s1 =	rddreg [dreg:$0x11];
	[sflag:s5] =	ssyncadd.s32 $0xFFFF8000  }
0x71: {  	[tilespmem:s8], [sflag:$0x2] =	stream.linear.gather [hbm4b:s1+s2], $0x8000, $0x38;
	[tilespmem:$0x10000] =	vst v63  }
0x72: {  	_ =	swait.ge [sflag:s10], $0x8000  }
0x73: {  	[sflag:s10] =	ssyncset.done $0x0  }
0x74: {  	s1 =	rddreg [dreg:$0x12];
	[sflag:s10] =	ssyncadd.s32 $0xFFFF8000  }
0x75: {  	[hbm4b:s1+s2] =	stream.linear.scatter [tilespmem:s8], [sflag:$0x4], $0x8000, $0x38;
	[tilespmem:$0x10000] =	vst v63  }
0x76: {  	_ =	swait.ge [sflag:s7], $0x8000  }
0x77: {  	[sflag:s7] =	ssyncset.done $0x0  }
0x78: {  	s1 =	rddreg [dreg:$0x13];
	[sflag:s7] =	ssyncadd.s32 $0xFFFF8000  }
0x79: {  	[tilespmem:s2], [sflag:$0x1] =	stream.linear.gather [hbm4b:s1+s2], $0x8000, $0x38;
	[tilespmem:$0x10000] =	vst v63  }
0x7a: {  	_ =	swait.ge [sflag:s13], $0x8000  }
0x7b: {  	[sflag:s13] =	ssyncset.done $0x0  }
0x7c: {  	s1 =	rddreg [dreg:$0x14];
	[sflag:s13] =	ssyncadd.s32 $0xFFFF8000  }
0x7d: {  	[hbm4b:s1+s2] =	stream.linear.scatter [tilespmem:s2], [sflag:$0x3], $0x8000, $0x38;
	[tilespmem:$0x10000] =	vst v63  }
0x7e: {  	_ =	swait.ge [sflag:s5], $0x8000  }
0x7f: {  	[sflag:s5] =	ssyncset.done $0x0  }
0x80: {  	s1 =	rddreg [dreg:$0x15];
	[sflag:s5] =	ssyncadd.s32 $0xFFFF8000  }
0x81: {  	[tilespmem:s8], [sflag:$0x2] =	stream.linear.gather [hbm4b:s1+s2], $0x8000, $0x38;
	[tilespmem:$0x10000] =	vst v63  }
0x82: {  	_ =	swait.ge [sflag:s10], $0x8000  }
0x83: {  	[sflag:s10] =	ssyncset.done $0x0  }
0x84: {  	s1 =	rddreg [dreg:$0x16];
	[sflag:s10] =	ssyncadd.s32 $0xFFFF8000  }
0x85: {  	[hbm4b:s1+s2] =	stream.linear.scatter [tilespmem:s8], [sflag:$0x4], $0x8000, $0x38;
	[tilespmem:$0x10000] =	vst v63  }
0x86: {  	_ =	swait.ge [sflag:s7], $0x8000  }
0x87: {  	[sflag:s7] =	ssyncset.done $0x0  }
0x88: {  	s1 =	rddreg [dreg:$0x17];
	[sflag:s7] =	ssyncadd.s32 $0xFFFF8000  }
0x89: {  	[tilespmem:s2], [sflag:$0x1] =	stream.linear.gather [hbm4b:s1+s2], $0x8000, $0x38;
	[tilespmem:$0x10000] =	vst v63  }
0x8a: {  	_ =	swait.ge [sflag:s13], $0x8000  }
0x8b: {  	[sflag:s13] =	ssyncset.done $0x0  }
0x8c: {  	s1 =	rddreg [dreg:$0x18];
	[sflag:s13] =	ssyncadd.s32 $0xFFFF8000  }
0x8d: {  	[hbm4b:s1+s2] =	stream.linear.scatter [tilespmem:s2], [sflag:$0x3], $0x8000, $0x38;
	[tilespmem:$0x10000] =	vst v63  }
0x8e: {  	_ =	swait.ge [sflag:s5], $0x8000  }
0x8f: {  	[sflag:s5] =	ssyncset.done $0x0  }
0x90: {  	s1 =	rddreg [dreg:$0x19];
	[sflag:s5] =	ssyncadd.s32 $0xFFFF8000  }
0x91: {  	[tilespmem:s8], [sflag:$0x2] =	stream.linear.gather [hbm4b:s1+s2], $0x8000, $0x38;
	[tilespmem:$0x10000] =	vst v63  }
0x92: {  	_ =	swait.ge [sflag:s10], $0x8000  }
0x93: {  	[sflag:s10] =	ssyncset.done $0x0  }
0x94: {  	s1 =	rddreg [dreg:$0x1a];
	[sflag:s10] =	ssyncadd.s32 $0xFFFF8000  }
0x95: {  	[hbm4b:s1+s2] =	stream.linear.scatter [tilespmem:s8], [sflag:$0x4], $0x8000, $0x38;
	[tilespmem:$0x10000] =	vst v63  }
0x96: {  	_ =	swait.ge [sflag:s7], $0x8000  }
0x97: {  	[sflag:s7] =	ssyncset.done $0x0  }
0x98: {  	s1 =	rddreg [dreg:$0x1b];
	[sflag:s7] =	ssyncadd.s32 $0xFFFF8000  }
0x99: {  	[tilespmem:s2], [sflag:$0x1] =	stream.linear.gather [hbm4b:s1+s2], $0x8000, $0x38;
	[tilespmem:$0x10000] =	vst v63  }
0x9a: {  	_ =	swait.ge [sflag:s13], $0x8000  }
0x9b: {  	[sflag:s13] =	ssyncset.done $0x0  }
0x9c: {  	s1 =	rddreg [dreg:$0x1c];
	[sflag:s13] =	ssyncadd.s32 $0xFFFF8000  }
0x9d: {  	[hbm4b:s1+s2] =	stream.linear.scatter [tilespmem:s2], [sflag:$0x3], $0x8000, $0x38;
	[tilespmem:$0x10000] =	vst v63  }
0x9e: {  	_ =	swait.ge [sflag:s5], $0x8000  }
0x9f: {  	[sflag:s5] =	ssyncset.done $0x0  }
0xa0: {  	s1 =	rddreg [dreg:$0x1d];
	[sflag:s5] =	ssyncadd.s32 $0xFFFF8000  }
0xa1: {  	[tilespmem:s8], [sflag:$0x2] =	stream.linear.gather [hbm4b:s1+s2], $0x8000, $0x38;
	[tilespmem:$0x10000] =	vst v63  }
0xa2: {  	_ =	swait.ge [sflag:s10], $0x8000  }
0xa3: {  	[sflag:s10] =	ssyncset.done $0x0  }
0xa4: {  	s1 =	rddreg [dreg:$0x1e];
	[sflag:s10] =	ssyncadd.s32 $0xFFFF8000  }
0xa5: {  	[hbm4b:s1+s2] =	stream.linear.scatter [tilespmem:s8], [sflag:$0x4], $0x8000, $0x38;
	[tilespmem:$0x10000] =	vst v63  }
0xa6: {  	_ =	swait.ge [sflag:s7], $0x8000  }
0xa7: {  	[sflag:s7] =	ssyncset.done $0x0  }
0xa8: {  	s1 =	rddreg [dreg:$0x1f];
	[sflag:s7] =	ssyncadd.s32 $0xFFFF8000  }
0xa9: {  	[tilespmem:s2], [sflag:$0x1] =	stream.linear.gather [hbm4b:s1+s2], $0x8000, $0x38;
	[tilespmem:$0x10000] =	vst v63  }
0xaa: {  	_ =	swait.ge [sflag:s13], $0x8000  }
0xab: {  	s1 =	sld [smem:$0x7F2]  }
0xac: {  	[sflag:s13] =	ssyncset.done $0x0  }
0xad: {  	[sflag:s13] =	ssyncadd.s32 $0xFFFF8000  }
0xae: {  	[hbm4b:s1+s2] =	stream.linear.scatter [tilespmem:s2], [sflag:$0x3], $0x8000, $0x38;
	[tilespmem:$0x10000] =	vst v63  }
0xaf: {  	_ =	swait.ge [sflag:s5], $0x8000  }
0xb0: {  	s1 =	sld [smem:$0x7F3]  }
0xb1: {  	[sflag:s5] =	ssyncset.done $0x0  }
0xb2: {  	[sflag:s5] =	ssyncadd.s32 $0xFFFF8000  }
0xb3: {  	[tilespmem:s8], [sflag:$0x2] =	stream.linear.gather [hbm4b:s1+s2], $0x8000, $0x38;
	[tilespmem:$0x10000] =	vst v63  }
0xb4: {  	_ =	swait.ge [sflag:s10], $0x8000  }
0xb5: {  	s1 =	sld [smem:$0x7F4]  }
0xb6: {  	[sflag:s10] =	ssyncset.done $0x0  }
0xb7: {  	[sflag:s10] =	ssyncadd.s32 $0xFFFF8000  }
0xb8: {  	[hbm4b:s1+s2] =	stream.linear.scatter [tilespmem:s8], [sflag:$0x4], $0x8000, $0x38;
	[tilespmem:$0x10000] =	vst v63  }
0xb9: {  	_ =	swait.ge [sflag:s7], $0x8000  }
0xba: {  	s1 =	sld [smem:$0x7F5]  }
0xbb: {  	[sflag:s7] =	ssyncset.done $0x0  }
0xbc: {  	[sflag:s7] =	ssyncadd.s32 $0xFFFF8000  }
0xbd: {  	[tilespmem:s2], [sflag:$0x1] =	stream.linear.gather [hbm4b:s1+s2], $0x8000, $0x38;
	[tilespmem:$0x10000] =	vst v63  }
0xbe: {  	_ =	swait.ge [sflag:s13], $0x8000  }
0xbf: {  	s1 =	sld [smem:$0x7F6]  }
0xc0: {  	[sflag:s13] =	ssyncset.done $0x0  }
0xc1: {  	[sflag:s13] =	ssyncadd.s32 $0xFFFF8000  }
0xc2: {  	[hbm4b:s1+s2] =	stream.linear.scatter [tilespmem:s2], [sflag:$0x3], $0x8000, $0x38;
	[tilespmem:$0x10000] =	vst v63  }
0xc3: {  	_ =	swait.ge [sflag:s5], $0x8000  }
0xc4: {  	s1 =	sld [smem:$0x7F7]  }
0xc5: {  	[sflag:s5] =	ssyncset.done $0x0  }
0xc6: {  	[sflag:s5] =	ssyncadd.s32 $0xFFFF8000  }
0xc7: {  	[tilespmem:s8], [sflag:$0x2] =	stream.linear.gather [hbm4b:s1+s2], $0x8000, $0x38;
	[tilespmem:$0x10000] =	vst v63  }
0xc8: {  	_ =	swait.ge [sflag:s10], $0x8000  }
0xc9: {  	s1 =	sld [smem:$0x7F8]  }
0xca: {  	[sflag:s10] =	ssyncset.done $0x0  }
0xcb: {  	[sflag:s10] =	ssyncadd.s32 $0xFFFF8000  }
0xcc: {  	[hbm4b:s1+s2] =	stream.linear.scatter [tilespmem:s8], [sflag:$0x4], $0x8000, $0x38;
	[tilespmem:$0x10000] =	vst v63  }
0xcd: {  	_ =	swait.ge [sflag:s7], $0x8000  }
0xce: {  	s1 =	sld [smem:$0x7F9]  }
0xcf: {  	[sflag:s7] =	ssyncset.done $0x0  }
0xd0: {  	[sflag:s7] =	ssyncadd.s32 $0xFFFF8000  }
0xd1: {  	[tilespmem:s2], [sflag:$0x1] =	stream.linear.gather [hbm4b:s1+s2], $0x8000, $0x38;
	[tilespmem:$0x10000] =	vst v63  }
0xd2: {  	_ =	swait.ge [sflag:s13], $0x8000  }
0xd3: {  	s1 =	sld [smem:$0x7FA]  }
0xd4: {  	[sflag:s13] =	ssyncset.done $0x0  }
0xd5: {  	[sflag:s13] =	ssyncadd.s32 $0xFFFF8000  }
0xd6: {  	[hbm4b:s1+s2] =	stream.linear.scatter [tilespmem:s2], [sflag:$0x3], $0x8000, $0x38;
	[tilespmem:$0x10000] =	vst v63  }
0xd7: {  	_ =	swait.ge [sflag:s5], $0x8000  }
0xd8: {  	s1 =	sld [smem:$0x7FB]  }
0xd9: {  	[sflag:s5] =	ssyncset.done $0x0  }
0xda: {  	[sflag:s5] =	ssyncadd.s32 $0xFFFF8000  }
0xdb: {  	[tilespmem:s8], [sflag:$0x2] =	stream.linear.gather [hbm4b:s1+s2], $0x8000, $0x38;
	[tilespmem:$0x10000] =	vst v63  }
0xdc: {  	_ =	swait.ge [sflag:s10], $0x8000  }
0xdd: {  	s1 =	sld [smem:$0x7FC]  }
0xde: {  	[sflag:s10] =	ssyncset.done $0x0  }
0xdf: {  	[sflag:s10] =	ssyncadd.s32 $0xFFFF8000  }
0xe0: {  	[hbm4b:s1+s2] =	stream.linear.scatter [tilespmem:s8], [sflag:$0x4], $0x8000, $0x38;
	[tilespmem:$0x10000] =	vst v63  }
0xe1: {  	_ =	swait.ge [sflag:s7], $0x8000  }
0xe2: {  	s1 =	sld [smem:$0x7FD]  }
0xe3: {  	[sflag:s7] =	ssyncset.done $0x0  }
0xe4: {  	[sflag:s7] =	ssyncadd.s32 $0xFFFF8000  }
0xe5: {  	[tilespmem:s2], [sflag:$0x1] =	stream.linear.gather [hbm4b:s1+s2], $0x8000, $0x38;
	[tilespmem:$0x10000] =	vst v63  }
0xe6: {  	_ =	swait.ge [sflag:s13], $0x8000  }
0xe7: {  	[sflag:s13] =	ssyncset.done $0x0  }
0xe8: {  	[sflag:s13] =	ssyncadd.s32 $0xFFFF8000  }
0xe9: {  	[hbm4b:s31+s2] =	stream.linear.scatter [tilespmem:s2], [sflag:$0x3], $0x8000, $0x38;
	[tilespmem:$0x10000] =	vst v63  }
0xea: {  	_ =	swait.ge [sflag:s5], $0x8000  }
0xeb: {  	[sflag:s5] =	ssyncset.done $0x0  }
0xec: {  	[sflag:s5] =	ssyncadd.s32 $0xFFFF8000  }
0xed: {  	[tilespmem:s8], [sflag:$0x2] =	stream.linear.gather [hbm4b:s30+s2], $0x8000, $0x38;
	[tilespmem:$0x10000] =	vst v63  }
0xee: {  	_ =	swait.ge [sflag:s10], $0x8000  }
0xef: {  	[sflag:s10] =	ssyncset.done $0x0  }
0xf0: {  	[sflag:s10] =	ssyncadd.s32 $0xFFFF8000  }
0xf1: {  	[hbm4b:s29+s2] =	stream.linear.scatter [tilespmem:s8], [sflag:$0x4], $0x8000, $0x38;
	[tilespmem:$0x10000] =	vst v63  }
0xf2: {  	_ =	swait.ge [sflag:s7], $0x8000  }
0xf3: {  	[sflag:s7] =	ssyncset.done $0x0  }
0xf4: {  	[sflag:s7] =	ssyncadd.s32 $0xFFFF8000  }
0xf5: {  	[tilespmem:s2], [sflag:$0x1] =	stream.linear.gather [hbm4b:s28+s2], $0x8000, $0x38;
	[tilespmem:$0x10000] =	vst v63  }
0xf6: {  	_ =	swait.ge [sflag:s13], $0x8000  }
0xf7: {  	[sflag:s13] =	ssyncset.done $0x0  }
0xf8: {  	[sflag:s13] =	ssyncadd.s32 $0xFFFF8000  }
0xf9: {  	[hbm4b:s26+s2] =	stream.linear.scatter [tilespmem:s2], [sflag:$0x3], $0x8000, $0x38;
	[tilespmem:$0x10000] =	vst v63  }
0xfa: {  	_ =	swait.ge [sflag:s5], $0x8000  }
0xfb: {  	[sflag:s5] =	ssyncset.done $0x0  }
0xfc: {  	[sflag:s5] =	ssyncadd.s32 $0xFFFF8000  }
0xfd: {  	[tilespmem:s8], [sflag:$0x2] =	stream.linear.gather [hbm4b:s25+s2], $0x8000, $0x38;
	[tilespmem:$0x10000] =	vst v63  }
0xfe: {  	_ =	swait.ge [sflag:s10], $0x8000  }
0xff: {  	[sflag:s10] =	ssyncset.done $0x0  }
0x100: {  	[sflag:s10] =	ssyncadd.s32 $0xFFFF8000  }
0x101: {  	[hbm4b:s24+s2] =	stream.linear.scatter [tilespmem:s8], [sflag:$0x4], $0x8000, $0x38;
	[tilespmem:$0x10000] =	vst v63  }
0x102: {  	_ =	swait.ge [sflag:s7], $0x8000  }
0x103: {  	[sflag:s7] =	ssyncset.done $0x0  }
0x104: {  	[sflag:s7] =	ssyncadd.s32 $0xFFFF8000  }
0x105: {  	[tilespmem:s2], [sflag:$0x1] =	stream.linear.gather [hbm4b:s23+s2], $0x8000, $0x38;
	[tilespmem:$0x10000] =	vst v63  }
0x106: {  	_ =	swait.ge [sflag:s13], $0x8000  }
0x107: {  	[sflag:s13] =	ssyncset.done $0x0  }
0x108: {  	[sflag:s13] =	ssyncadd.s32 $0xFFFF8000  }
0x109: {  	[hbm4b:s22+s2] =	stream.linear.scatter [tilespmem:s2], [sflag:$0x3], $0x8000, $0x38;
	[tilespmem:$0x10000] =	vst v63  }
0x10a: {  	_ =	swait.ge [sflag:s5], $0x8000  }
0x10b: {  	[sflag:s5] =	ssyncset.done $0x0  }
0x10c: {  	[sflag:s5] =	ssyncadd.s32 $0xFFFF8000  }
0x10d: {  	[tilespmem:s8], [sflag:$0x2] =	stream.linear.gather [hbm4b:s21+s2], $0x8000, $0x38;
	[tilespmem:$0x10000] =	vst v63  }
0x10e: {  	_ =	swait.ge [sflag:s10], $0x8000  }
0x10f: {  	[sflag:s10] =	ssyncset.done $0x0  }
0x110: {  	[sflag:s10] =	ssyncadd.s32 $0xFFFF8000  }
0x111: {  	[hbm4b:s20+s2] =	stream.linear.scatter [tilespmem:s8], [sflag:$0x4], $0x8000, $0x38;
	[tilespmem:$0x10000] =	vst v63  }
0x112: {  	_ =	swait.ge [sflag:s7], $0x8000  }
0x113: {  	[sflag:s7] =	ssyncset.done $0x0  }
0x114: {  	[sflag:s7] =	ssyncadd.s32 $0xFFFF8000  }
0x115: {  	[tilespmem:s2], [sflag:$0x1] =	stream.linear.gather [hbm4b:s19+s2], $0x8000, $0x38;
	[tilespmem:$0x10000] =	vst v63  }
0x116: {  	_ =	swait.ge [sflag:s13], $0x8000  }
0x117: {  	[sflag:s13] =	ssyncset.done $0x0  }
0x118: {  	[sflag:s13] =	ssyncadd.s32 $0xFFFF8000  }
0x119: {  	[hbm4b:s18+s2] =	stream.linear.scatter [tilespmem:s2], [sflag:$0x3], $0x8000, $0x38;
	[tilespmem:$0x10000] =	vst v63  }
0x11a: {  	_ =	swait.ge [sflag:s5], $0x8000  }
0x11b: {  	[sflag:s5] =	ssyncset.done $0x0  }
0x11c: {  	[sflag:s5] =	ssyncadd.s32 $0xFFFF8000  }
0x11d: {  	[tilespmem:s8], [sflag:$0x2] =	stream.linear.gather [hbm4b:s17+s2], $0x8000, $0x38;
	[tilespmem:$0x10000] =	vst v63  }
0x11e: {  	_ =	swait.ge [sflag:s10], $0x8000  }
0x11f: {  	[sflag:s10] =	ssyncset.done $0x0  }
0x120: {  	[sflag:s10] =	ssyncadd.s32 $0xFFFF8000  }
0x121: {  	[hbm4b:s16+s2] =	stream.linear.scatter [tilespmem:s8], [sflag:$0x4], $0x8000, $0x38;
	[tilespmem:$0x10000] =	vst v63  }
0x122: {  	_ =	swait.ge [sflag:s7], $0x8000  }
0x123: {  	[sflag:s7] =	ssyncset.done $0x0  }
0x124: {  	[sflag:s7] =	ssyncadd.s32 $0xFFFF8000  }
0x125: {  	[tilespmem:s2], [sflag:$0x1] =	stream.linear.gather [hbm4b:s15+s2], $0x8000, $0x38;
	[tilespmem:$0x10000] =	vst v63  }
0x126: {  	_ =	swait.ge [sflag:s13], $0x8000  }
0x127: {  	[sflag:s13] =	ssyncset.done $0x0  }
0x128: {  	[sflag:s13] =	ssyncadd.s32 $0xFFFF8000  }
0x129: {  	[hbm4b:s14+s2] =	stream.linear.scatter [tilespmem:s2], [sflag:$0x3], $0x8000, $0x38;
	[tilespmem:$0x10000] =	vst v63  }
0x12a: {  	_ =	swait.ge [sflag:s5], $0x8000  }
0x12b: {  	[sflag:s5] =	ssyncset.done $0x0  }
0x12c: {  	[sflag:s5] =	ssyncadd.s32 $0xFFFF8000  }
0x12d: {  	[tilespmem:s8], [sflag:$0x2] =	stream.linear.gather [hbm4b:s12+s2], $0x8000, $0x38;
	[tilespmem:$0x10000] =	vst v63  }
0x12e: {  	_ =	swait.ge [sflag:s10], $0x8000  }
0x12f: {  	[sflag:s10] =	ssyncset.done $0x0  }
0x130: {  	[sflag:s10] =	ssyncadd.s32 $0xFFFF8000  }
0x131: {  	[hbm4b:s11+s2] =	stream.linear.scatter [tilespmem:s8], [sflag:$0x4], $0x8000, $0x38;
	[tilespmem:$0x10000] =	vst v63  }
0x132: {  	_ =	swait.ge [sflag:s7], $0x8000  }
0x133: {  	[sflag:s7] =	ssyncset.done $0x0  }
0x134: {  	[sflag:s7] =	ssyncadd.s32 $0xFFFF8000  }
0x135: {  	[tilespmem:s2], [sflag:$0x1] =	stream.linear.gather [hbm4b:s9+s2], $0x8000, $0x38;
	[tilespmem:$0x10000] =	vst v63  }
0x136: {  	_ =	swait.ge [sflag:s13], $0x8000  }
0x137: {  	[sflag:s13] =	ssyncset.done $0x0  }
0x138: {  	[sflag:s13] =	ssyncadd.s32 $0xFFFF8000  }
0x139: {  	[hbm4b:s6+s2] =	stream.linear.scatter [tilespmem:s2], [sflag:$0x3], $0x8000, $0x38;
	[tilespmem:$0x10000] =	vst v63  }
0x13a: {  	_ =	swait.ge [sflag:s5], $0x8000  }
0x13b: {  	[sflag:s5] =	ssyncset.done $0x0  }
0x13c: {  	[sflag:s5] =	ssyncadd.s32 $0xFFFF8000  }
0x13d: {  	[tilespmem:s8], [sflag:$0x2] =	stream.linear.gather [hbm4b:s4+s2], $0x8000, $0x38;
	[tilespmem:$0x10000] =	vst v63  }
0x13e: {  	_ =	swait.ge [sflag:s10], $0x8000  }
0x13f: {  	[sflag:s10] =	ssyncset.done $0x0  }
0x140: {  	[sflag:s10] =	ssyncadd.s32 $0xFFFF8000  }
0x141: {  	[hbm4b:s3+s2] =	stream.linear.scatter [tilespmem:s8], [sflag:$0x4], $0x8000, $0x38;
	[tilespmem:$0x10000] =	vst v63  }
0x142: {  	_ =	swait.ge [sflag:s7], $0x8000  }
0x143: {  	s1 =	sld [smem:$0x7F1];
	_ =	sdelay $0x2  }
0x144: {  	p1 =	sne.s32 s1, $0x1  }
.Ltmp1:
0x145: {  	_ = 	snop;
	(pc) =	sbr.rel @!p1 .LBB2_3-.Ltmp1, $4  }
0x146: {  	[sflag:s7] =	ssyncset.done $0x0  }
0x147: {  	[sflag:s7] =	ssyncadd.s32 $0xFFFF8000  }
0x148: {  	p0 =	por $0x1, $0x1;
	_ =	swait.ge [sflag:s5], $0x8000  }
0x149: {  	s0 =	sadd.s32 $0xFFFFFFFF, s1;
	s1 =	rddreg [dreg:$0x3];
	[sflag:s5] =	ssyncset.done $0x0  }
.LBB2_2:
0x14a: {  	p1 =	sne.s32 s0, $0x1;
	s8 =	sadd.s32 $0xFFFFFFFF, s0  }
0x14b: {  	[sflag:s5] =	ssyncadd.s32 $0xFFFF8000;
	s5 =	simm.s32 $0x8000;
	s0 =	smov.u32 s31  }
0x14c: {  	s31 =	smov.u32 s30;
	s30 =	smov.u32 s29;
	s29 =	smov.u32 s28  }
0x14d: {  	s28 =	smov.u32 s26;
	s26 =	smov.u32 s25;
	s25 =	smov.u32 s24  }
0x14e: {  	s24 =	smov.u32 s23;
	s23 =	smov.u32 s22;
	s22 =	smov.u32 s21  }
0x14f: {  	s21 =	smov.u32 s20;
	s20 =	smov.u32 s19;
	s19 =	smov.u32 s18  }
0x150: {  	s18 =	smov.u32 s17;
	s17 =	smov.u32 s16;
	s16 =	smov.u32 s15  }
0x151: {  	[tilespmem:s2], [sflag:$0x1] =	stream.linear.gather [hbm4b:s1+s2], $0x8000, $0x38;
	[tilespmem:$0x10000] =	vst v63  }
0x152: {  	s15 =	smov.u32 s14;
	s14 =	smov.u32 s12;
	_ =	swait.ge [sflag:s13], $0x8000  }
0x153: {  	s12 =	smov.u32 s11;
	s11 =	smov.u32 s9;
	[sflag:s13] =	ssyncset.done $0x0  }
0x154: {  	s9 =	smov.u32 s6;
	s1 =	rddreg [dreg:$0x4];
	[sflag:s13] =	ssyncadd.s32 $0xFFFF8000  }
0x155: {  	[hbm4b:s1+s2] =	stream.linear.scatter [tilespmem:s2], [sflag:$0x3], $0x8000, $0x38;
	[tilespmem:$0x10000] =	vst v63  }
0x156: {  	s6 =	smov.u32 s4;
	s4 =	smov.u32 s3;
	s3 =	rddreg [dreg:$0x5]  }
0x157: {  	[tilespmem:s5], [sflag:$0x2] =	stream.linear.gather [hbm4b:s3+s2], $0x8000, $0x38;
	[tilespmem:$0x10000] =	vst v63  }
0x158: {  	s3 =	smov.u32 s4;
	s4 =	smov.u32 s6  }
0x159: {  	s6 =	smov.u32 s9;
	s9 =	smov.u32 s11;
	s11 =	smov.u32 s12  }
0x15a: {  	s12 =	smov.u32 s14;
	s14 =	smov.u32 s15;
	s15 =	smov.u32 s16  }
0x15b: {  	s16 =	smov.u32 s17;
	s17 =	smov.u32 s18;
	s18 =	smov.u32 s19  }
0x15c: {  	s19 =	smov.u32 s20;
	s20 =	smov.u32 s21;
	s21 =	smov.u32 s22  }
0x15d: {  	s22 =	smov.u32 s23;
	s23 =	smov.u32 s24;
	s24 =	smov.u32 s25  }
0x15e: {  	s25 =	smov.u32 s26;
	s26 =	smov.u32 s28;
	s28 =	smov.u32 s29  }
0x15f: {  	s29 =	smov.u32 s30;
	s30 =	smov.u32 s31;
	_ =	swait.ge [sflag:s10], $0x8000  }
0x160: {  	s31 =	smov.u32 s0;
	s0 =	smov.u32 s8;
	[sflag:s10] =	ssyncset.done $0x0  }
0x161: {  	s8 =	simm.s32 $0x8000;
	s1 =	rddreg [dreg:$0x6];
	[sflag:s10] =	ssyncadd.s32 $0xFFFF8000  }
0x162: {  	[hbm4b:s1+s2] =	stream.linear.scatter [tilespmem:s8], [sflag:$0x4], $0x8000, $0x38;
	[tilespmem:$0x10000] =	vst v63  }
0x163: {  	_ =	swait.ge [sflag:s7], $0x8000  }
0x164: {  	[sflag:s7] =	ssyncset.done $0x0  }
0x165: {  	s1 =	rddreg [dreg:$0x7];
	[sflag:s7] =	ssyncadd.s32 $0xFFFF8000  }
0x166: {  	[tilespmem:s2], [sflag:$0x1] =	stream.linear.gather [hbm4b:s1+s2], $0x8000, $0x38;
	[tilespmem:$0x10000] =	vst v63  }
0x167: {  	_ =	swait.ge [sflag:s13], $0x8000  }
0x168: {  	[sflag:s13] =	ssyncset.done $0x0  }
0x169: {  	s5 =	simm.s32 $0x4;
	s1 =	rddreg [dreg:$0x8];
	[sflag:s13] =	ssyncadd.s32 $0xFFFF8000  }
0x16a: {  	[hbm4b:s1+s2] =	stream.linear.scatter [tilespmem:s2], [sflag:$0x3], $0x8000, $0x38;
	[tilespmem:$0x10000] =	vst v63  }
0x16b: {  	_ =	swait.ge [sflag:s5], $0x8000  }
0x16c: {  	[sflag:s5] =	ssyncset.done $0x0  }
0x16d: {  	s1 =	rddreg [dreg:$0x9];
	[sflag:s5] =	ssyncadd.s32 $0xFFFF8000  }
0x16e: {  	[tilespmem:s8], [sflag:$0x2] =	stream.linear.gather [hbm4b:s1+s2], $0x8000, $0x38;
	[tilespmem:$0x10000] =	vst v63  }
0x16f: {  	_ =	swait.ge [sflag:s10], $0x8000  }
0x170: {  	[sflag:s10] =	ssyncset.done $0x0  }
0x171: {  	s1 =	rddreg [dreg:$0xa];
	[sflag:s10] =	ssyncadd.s32 $0xFFFF8000  }
0x172: {  	[hbm4b:s1+s2] =	stream.linear.scatter [tilespmem:s8], [sflag:$0x4], $0x8000, $0x38;
	[tilespmem:$0x10000] =	vst v63  }
0x173: {  	_ =	swait.ge [sflag:s7], $0x8000  }
0x174: {  	[sflag:s7] =	ssyncset.done $0x0  }
0x175: {  	s1 =	rddreg [dreg:$0xb];
	[sflag:s7] =	ssyncadd.s32 $0xFFFF8000  }
0x176: {  	[tilespmem:s2], [sflag:$0x1] =	stream.linear.gather [hbm4b:s1+s2], $0x8000, $0x38;
	[tilespmem:$0x10000] =	vst v63  }
0x177: {  	_ =	swait.ge [sflag:s13], $0x8000  }
0x178: {  	[sflag:s13] =	ssyncset.done $0x0  }
0x179: {  	s1 =	rddreg [dreg:$0xc];
	[sflag:s13] =	ssyncadd.s32 $0xFFFF8000  }
0x17a: {  	[hbm4b:s1+s2] =	stream.linear.scatter [tilespmem:s2], [sflag:$0x3], $0x8000, $0x38;
	[tilespmem:$0x10000] =	vst v63  }
0x17b: {  	_ =	swait.ge [sflag:s5], $0x8000  }
0x17c: {  	[sflag:s5] =	ssyncset.done $0x0  }
0x17d: {  	s1 =	rddreg [dreg:$0xd];
	[sflag:s5] =	ssyncadd.s32 $0xFFFF8000  }
0x17e: {  	[tilespmem:s8], [sflag:$0x2] =	stream.linear.gather [hbm4b:s1+s2], $0x8000, $0x38;
	[tilespmem:$0x10000] =	vst v63  }
0x17f: {  	_ =	swait.ge [sflag:s10], $0x8000  }
0x180: {  	[sflag:s10] =	ssyncset.done $0x0  }
0x181: {  	s1 =	rddreg [dreg:$0xe];
	[sflag:s10] =	ssyncadd.s32 $0xFFFF8000  }
0x182: {  	[hbm4b:s1+s2] =	stream.linear.scatter [tilespmem:s8], [sflag:$0x4], $0x8000, $0x38;
	[tilespmem:$0x10000] =	vst v63  }
0x183: {  	_ =	swait.ge [sflag:s7], $0x8000  }
0x184: {  	[sflag:s7] =	ssyncset.done $0x0  }
0x185: {  	s1 =	rddreg [dreg:$0xf];
	[sflag:s7] =	ssyncadd.s32 $0xFFFF8000  }
0x186: {  	[tilespmem:s2], [sflag:$0x1] =	stream.linear.gather [hbm4b:s1+s2], $0x8000, $0x38;
	[tilespmem:$0x10000] =	vst v63  }
0x187: {  	_ =	swait.ge [sflag:s13], $0x8000  }
0x188: {  	[sflag:s13] =	ssyncset.done $0x0  }
0x189: {  	s1 =	rddreg [dreg:$0x10];
	[sflag:s13] =	ssyncadd.s32 $0xFFFF8000  }
0x18a: {  	[hbm4b:s1+s2] =	stream.linear.scatter [tilespmem:s2], [sflag:$0x3], $0x8000, $0x38;
	[tilespmem:$0x10000] =	vst v63  }
0x18b: {  	_ =	swait.ge [sflag:s5], $0x8000  }
0x18c: {  	[sflag:s5] =	ssyncset.done $0x0  }
0x18d: {  	s1 =	rddreg [dreg:$0x11];
	[sflag:s5] =	ssyncadd.s32 $0xFFFF8000  }
0x18e: {  	[tilespmem:s8], [sflag:$0x2] =	stream.linear.gather [hbm4b:s1+s2], $0x8000, $0x38;
	[tilespmem:$0x10000] =	vst v63  }
0x18f: {  	_ =	swait.ge [sflag:s10], $0x8000  }
0x190: {  	[sflag:s10] =	ssyncset.done $0x0  }
0x191: {  	s1 =	rddreg [dreg:$0x12];
	[sflag:s10] =	ssyncadd.s32 $0xFFFF8000  }
0x192: {  	[hbm4b:s1+s2] =	stream.linear.scatter [tilespmem:s8], [sflag:$0x4], $0x8000, $0x38;
	[tilespmem:$0x10000] =	vst v63  }
0x193: {  	_ =	swait.ge [sflag:s7], $0x8000  }
0x194: {  	[sflag:s7] =	ssyncset.done $0x0  }
0x195: {  	s1 =	rddreg [dreg:$0x13];
	[sflag:s7] =	ssyncadd.s32 $0xFFFF8000  }
0x196: {  	[tilespmem:s2], [sflag:$0x1] =	stream.linear.gather [hbm4b:s1+s2], $0x8000, $0x38;
	[tilespmem:$0x10000] =	vst v63  }
0x197: {  	_ =	swait.ge [sflag:s13], $0x8000  }
0x198: {  	[sflag:s13] =	ssyncset.done $0x0  }
0x199: {  	s1 =	rddreg [dreg:$0x14];
	[sflag:s13] =	ssyncadd.s32 $0xFFFF8000  }
0x19a: {  	[hbm4b:s1+s2] =	stream.linear.scatter [tilespmem:s2], [sflag:$0x3], $0x8000, $0x38;
	[tilespmem:$0x10000] =	vst v63  }
0x19b: {  	_ =	swait.ge [sflag:s5], $0x8000  }
0x19c: {  	[sflag:s5] =	ssyncset.done $0x0  }
0x19d: {  	s1 =	rddreg [dreg:$0x15];
	[sflag:s5] =	ssyncadd.s32 $0xFFFF8000  }
0x19e: {  	[tilespmem:s8], [sflag:$0x2] =	stream.linear.gather [hbm4b:s1+s2], $0x8000, $0x38;
	[tilespmem:$0x10000] =	vst v63  }
0x19f: {  	_ =	swait.ge [sflag:s10], $0x8000  }
0x1a0: {  	[sflag:s10] =	ssyncset.done $0x0  }
0x1a1: {  	s1 =	rddreg [dreg:$0x16];
	[sflag:s10] =	ssyncadd.s32 $0xFFFF8000  }
0x1a2: {  	[hbm4b:s1+s2] =	stream.linear.scatter [tilespmem:s8], [sflag:$0x4], $0x8000, $0x38;
	[tilespmem:$0x10000] =	vst v63  }
0x1a3: {  	_ =	swait.ge [sflag:s7], $0x8000  }
0x1a4: {  	[sflag:s7] =	ssyncset.done $0x0  }
0x1a5: {  	s1 =	rddreg [dreg:$0x17];
	[sflag:s7] =	ssyncadd.s32 $0xFFFF8000  }
0x1a6: {  	[tilespmem:s2], [sflag:$0x1] =	stream.linear.gather [hbm4b:s1+s2], $0x8000, $0x38;
	[tilespmem:$0x10000] =	vst v63  }
0x1a7: {  	_ =	swait.ge [sflag:s13], $0x8000  }
0x1a8: {  	[sflag:s13] =	ssyncset.done $0x0  }
0x1a9: {  	s1 =	rddreg [dreg:$0x18];
	[sflag:s13] =	ssyncadd.s32 $0xFFFF8000  }
0x1aa: {  	[hbm4b:s1+s2] =	stream.linear.scatter [tilespmem:s2], [sflag:$0x3], $0x8000, $0x38;
	[tilespmem:$0x10000] =	vst v63  }
0x1ab: {  	_ =	swait.ge [sflag:s5], $0x8000  }
0x1ac: {  	[sflag:s5] =	ssyncset.done $0x0  }
0x1ad: {  	s1 =	rddreg [dreg:$0x19];
	[sflag:s5] =	ssyncadd.s32 $0xFFFF8000  }
0x1ae: {  	[tilespmem:s8], [sflag:$0x2] =	stream.linear.gather [hbm4b:s1+s2], $0x8000, $0x38;
	[tilespmem:$0x10000] =	vst v63  }
0x1af: {  	_ =	swait.ge [sflag:s10], $0x8000  }
0x1b0: {  	[sflag:s10] =	ssyncset.done $0x0  }
0x1b1: {  	s1 =	rddreg [dreg:$0x1a];
	[sflag:s10] =	ssyncadd.s32 $0xFFFF8000  }
0x1b2: {  	[hbm4b:s1+s2] =	stream.linear.scatter [tilespmem:s8], [sflag:$0x4], $0x8000, $0x38;
	[tilespmem:$0x10000] =	vst v63  }
0x1b3: {  	_ =	swait.ge [sflag:s7], $0x8000  }
0x1b4: {  	[sflag:s7] =	ssyncset.done $0x0  }
0x1b5: {  	s1 =	rddreg [dreg:$0x1b];
	[sflag:s7] =	ssyncadd.s32 $0xFFFF8000  }
0x1b6: {  	[tilespmem:s2], [sflag:$0x1] =	stream.linear.gather [hbm4b:s1+s2], $0x8000, $0x38;
	[tilespmem:$0x10000] =	vst v63  }
0x1b7: {  	_ =	swait.ge [sflag:s13], $0x8000  }
0x1b8: {  	[sflag:s13] =	ssyncset.done $0x0  }
0x1b9: {  	s1 =	rddreg [dreg:$0x1c];
	[sflag:s13] =	ssyncadd.s32 $0xFFFF8000  }
0x1ba: {  	[hbm4b:s1+s2] =	stream.linear.scatter [tilespmem:s2], [sflag:$0x3], $0x8000, $0x38;
	[tilespmem:$0x10000] =	vst v63  }
0x1bb: {  	_ =	swait.ge [sflag:s5], $0x8000  }
0x1bc: {  	[sflag:s5] =	ssyncset.done $0x0  }
0x1bd: {  	s1 =	rddreg [dreg:$0x1d];
	[sflag:s5] =	ssyncadd.s32 $0xFFFF8000  }
0x1be: {  	[tilespmem:s8], [sflag:$0x2] =	stream.linear.gather [hbm4b:s1+s2], $0x8000, $0x38;
	[tilespmem:$0x10000] =	vst v63  }
0x1bf: {  	_ =	swait.ge [sflag:s10], $0x8000  }
0x1c0: {  	[sflag:s10] =	ssyncset.done $0x0  }
0x1c1: {  	s1 =	rddreg [dreg:$0x1e];
	[sflag:s10] =	ssyncadd.s32 $0xFFFF8000  }
0x1c2: {  	[hbm4b:s1+s2] =	stream.linear.scatter [tilespmem:s8], [sflag:$0x4], $0x8000, $0x38;
	[tilespmem:$0x10000] =	vst v63  }
0x1c3: {  	_ =	swait.ge [sflag:s7], $0x8000  }
0x1c4: {  	[sflag:s7] =	ssyncset.done $0x0  }
0x1c5: {  	s1 =	rddreg [dreg:$0x1f];
	[sflag:s7] =	ssyncadd.s32 $0xFFFF8000  }
0x1c6: {  	[tilespmem:s2], [sflag:$0x1] =	stream.linear.gather [hbm4b:s1+s2], $0x8000, $0x38;
	[tilespmem:$0x10000] =	vst v63  }
0x1c7: {  	_ =	swait.ge [sflag:s13], $0x8000  }
0x1c8: {  	s1 =	sld [smem:$0x7F2]  }
0x1c9: {  	[sflag:s13] =	ssyncset.done $0x0  }
0x1ca: {  	[sflag:s13] =	ssyncadd.s32 $0xFFFF8000  }
0x1cb: {  	[hbm4b:s1+s2] =	stream.linear.scatter [tilespmem:s2], [sflag:$0x3], $0x8000, $0x38;
	[tilespmem:$0x10000] =	vst v63  }
0x1cc: {  	_ =	swait.ge [sflag:s5], $0x8000  }
0x1cd: {  	s1 =	sld [smem:$0x7F3]  }
0x1ce: {  	[sflag:s5] =	ssyncset.done $0x0  }
0x1cf: {  	[sflag:s5] =	ssyncadd.s32 $0xFFFF8000  }
0x1d0: {  	[tilespmem:s8], [sflag:$0x2] =	stream.linear.gather [hbm4b:s1+s2], $0x8000, $0x38;
	[tilespmem:$0x10000] =	vst v63  }
0x1d1: {  	_ =	swait.ge [sflag:s10], $0x8000  }
0x1d2: {  	s1 =	sld [smem:$0x7F4]  }
0x1d3: {  	[sflag:s10] =	ssyncset.done $0x0  }
0x1d4: {  	[sflag:s10] =	ssyncadd.s32 $0xFFFF8000  }
0x1d5: {  	[hbm4b:s1+s2] =	stream.linear.scatter [tilespmem:s8], [sflag:$0x4], $0x8000, $0x38;
	[tilespmem:$0x10000] =	vst v63  }
0x1d6: {  	_ =	swait.ge [sflag:s7], $0x8000  }
0x1d7: {  	s1 =	sld [smem:$0x7F5]  }
0x1d8: {  	[sflag:s7] =	ssyncset.done $0x0  }
0x1d9: {  	[sflag:s7] =	ssyncadd.s32 $0xFFFF8000  }
0x1da: {  	[tilespmem:s2], [sflag:$0x1] =	stream.linear.gather [hbm4b:s1+s2], $0x8000, $0x38;
	[tilespmem:$0x10000] =	vst v63  }
0x1db: {  	_ =	swait.ge [sflag:s13], $0x8000  }
0x1dc: {  	s1 =	sld [smem:$0x7F6]  }
0x1dd: {  	[sflag:s13] =	ssyncset.done $0x0  }
0x1de: {  	[sflag:s13] =	ssyncadd.s32 $0xFFFF8000  }
0x1df: {  	[hbm4b:s1+s2] =	stream.linear.scatter [tilespmem:s2], [sflag:$0x3], $0x8000, $0x38;
	[tilespmem:$0x10000] =	vst v63  }
0x1e0: {  	_ =	swait.ge [sflag:s5], $0x8000  }
0x1e1: {  	s1 =	sld [smem:$0x7F7]  }
0x1e2: {  	[sflag:s5] =	ssyncset.done $0x0  }
0x1e3: {  	[sflag:s5] =	ssyncadd.s32 $0xFFFF8000  }
0x1e4: {  	[tilespmem:s8], [sflag:$0x2] =	stream.linear.gather [hbm4b:s1+s2], $0x8000, $0x38;
	[tilespmem:$0x10000] =	vst v63  }
0x1e5: {  	_ =	swait.ge [sflag:s10], $0x8000  }
0x1e6: {  	s1 =	sld [smem:$0x7F8]  }
0x1e7: {  	[sflag:s10] =	ssyncset.done $0x0  }
0x1e8: {  	[sflag:s10] =	ssyncadd.s32 $0xFFFF8000  }
0x1e9: {  	[hbm4b:s1+s2] =	stream.linear.scatter [tilespmem:s8], [sflag:$0x4], $0x8000, $0x38;
	[tilespmem:$0x10000] =	vst v63  }
0x1ea: {  	_ =	swait.ge [sflag:s7], $0x8000  }
0x1eb: {  	s1 =	sld [smem:$0x7F9]  }
0x1ec: {  	[sflag:s7] =	ssyncset.done $0x0  }
0x1ed: {  	[sflag:s7] =	ssyncadd.s32 $0xFFFF8000  }
0x1ee: {  	[tilespmem:s2], [sflag:$0x1] =	stream.linear.gather [hbm4b:s1+s2], $0x8000, $0x38;
	[tilespmem:$0x10000] =	vst v63  }
0x1ef: {  	_ =	swait.ge [sflag:s13], $0x8000  }
0x1f0: {  	s1 =	sld [smem:$0x7FA]  }
0x1f1: {  	[sflag:s13] =	ssyncset.done $0x0  }
0x1f2: {  	[sflag:s13] =	ssyncadd.s32 $0xFFFF8000  }
0x1f3: {  	[hbm4b:s1+s2] =	stream.linear.scatter [tilespmem:s2], [sflag:$0x3], $0x8000, $0x38;
	[tilespmem:$0x10000] =	vst v63  }
0x1f4: {  	_ =	swait.ge [sflag:s5], $0x8000  }
0x1f5: {  	s1 =	sld [smem:$0x7FB]  }
0x1f6: {  	[sflag:s5] =	ssyncset.done $0x0  }
0x1f7: {  	[sflag:s5] =	ssyncadd.s32 $0xFFFF8000  }
0x1f8: {  	[tilespmem:s8], [sflag:$0x2] =	stream.linear.gather [hbm4b:s1+s2], $0x8000, $0x38;
	[tilespmem:$0x10000] =	vst v63  }
0x1f9: {  	_ =	swait.ge [sflag:s10], $0x8000  }
0x1fa: {  	s1 =	sld [smem:$0x7FC]  }
0x1fb: {  	[sflag:s10] =	ssyncset.done $0x0  }
0x1fc: {  	[sflag:s10] =	ssyncadd.s32 $0xFFFF8000  }
0x1fd: {  	[hbm4b:s1+s2] =	stream.linear.scatter [tilespmem:s8], [sflag:$0x4], $0x8000, $0x38;
	[tilespmem:$0x10000] =	vst v63  }
0x1fe: {  	_ =	swait.ge [sflag:s7], $0x8000  }
0x1ff: {  	s1 =	sld [smem:$0x7FD]  }
0x200: {  	[sflag:s7] =	ssyncset.done $0x0  }
0x201: {  	[sflag:s7] =	ssyncadd.s32 $0xFFFF8000  }
0x202: {  	[tilespmem:s2], [sflag:$0x1] =	stream.linear.gather [hbm4b:s1+s2], $0x8000, $0x38;
	[tilespmem:$0x10000] =	vst v63  }
0x203: {  	_ =	swait.ge [sflag:s13], $0x8000  }
0x204: {  	[sflag:s13] =	ssyncset.done $0x0  }
0x205: {  	[sflag:s13] =	ssyncadd.s32 $0xFFFF8000  }
0x206: {  	[hbm4b:s31+s2] =	stream.linear.scatter [tilespmem:s2], [sflag:$0x3], $0x8000, $0x38;
	[tilespmem:$0x10000] =	vst v63  }
0x207: {  	_ =	swait.ge [sflag:s5], $0x8000  }
0x208: {  	[sflag:s5] =	ssyncset.done $0x0  }
0x209: {  	[sflag:s5] =	ssyncadd.s32 $0xFFFF8000  }
0x20a: {  	[tilespmem:s8], [sflag:$0x2] =	stream.linear.gather [hbm4b:s30+s2], $0x8000, $0x38;
	[tilespmem:$0x10000] =	vst v63  }
0x20b: {  	_ =	swait.ge [sflag:s10], $0x8000  }
0x20c: {  	[sflag:s10] =	ssyncset.done $0x0  }
0x20d: {  	[sflag:s10] =	ssyncadd.s32 $0xFFFF8000  }
0x20e: {  	[hbm4b:s29+s2] =	stream.linear.scatter [tilespmem:s8], [sflag:$0x4], $0x8000, $0x38;
	[tilespmem:$0x10000] =	vst v63  }
0x20f: {  	_ =	swait.ge [sflag:s7], $0x8000  }
0x210: {  	[sflag:s7] =	ssyncset.done $0x0  }
0x211: {  	[sflag:s7] =	ssyncadd.s32 $0xFFFF8000  }
0x212: {  	[tilespmem:s2], [sflag:$0x1] =	stream.linear.gather [hbm4b:s28+s2], $0x8000, $0x38;
	[tilespmem:$0x10000] =	vst v63  }
0x213: {  	_ =	swait.ge [sflag:s13], $0x8000  }
0x214: {  	[sflag:s13] =	ssyncset.done $0x0  }
0x215: {  	[sflag:s13] =	ssyncadd.s32 $0xFFFF8000  }
0x216: {  	[hbm4b:s26+s2] =	stream.linear.scatter [tilespmem:s2], [sflag:$0x3], $0x8000, $0x38;
	[tilespmem:$0x10000] =	vst v63  }
0x217: {  	_ =	swait.ge [sflag:s5], $0x8000  }
0x218: {  	[sflag:s5] =	ssyncset.done $0x0  }
0x219: {  	[sflag:s5] =	ssyncadd.s32 $0xFFFF8000  }
0x21a: {  	[tilespmem:s8], [sflag:$0x2] =	stream.linear.gather [hbm4b:s25+s2], $0x8000, $0x38;
	[tilespmem:$0x10000] =	vst v63  }
0x21b: {  	_ =	swait.ge [sflag:s10], $0x8000  }
0x21c: {  	[sflag:s10] =	ssyncset.done $0x0  }
0x21d: {  	[sflag:s10] =	ssyncadd.s32 $0xFFFF8000  }
0x21e: {  	[hbm4b:s24+s2] =	stream.linear.scatter [tilespmem:s8], [sflag:$0x4], $0x8000, $0x38;
	[tilespmem:$0x10000] =	vst v63  }
0x21f: {  	_ =	swait.ge [sflag:s7], $0x8000  }
0x220: {  	[sflag:s7] =	ssyncset.done $0x0  }
0x221: {  	[sflag:s7] =	ssyncadd.s32 $0xFFFF8000  }
0x222: {  	[tilespmem:s2], [sflag:$0x1] =	stream.linear.gather [hbm4b:s23+s2], $0x8000, $0x38;
	[tilespmem:$0x10000] =	vst v63  }
0x223: {  	_ =	swait.ge [sflag:s13], $0x8000  }
0x224: {  	[sflag:s13] =	ssyncset.done $0x0  }
0x225: {  	[sflag:s13] =	ssyncadd.s32 $0xFFFF8000  }
0x226: {  	[hbm4b:s22+s2] =	stream.linear.scatter [tilespmem:s2], [sflag:$0x3], $0x8000, $0x38;
	[tilespmem:$0x10000] =	vst v63  }
0x227: {  	_ =	swait.ge [sflag:s5], $0x8000  }
0x228: {  	[sflag:s5] =	ssyncset.done $0x0  }
0x229: {  	[sflag:s5] =	ssyncadd.s32 $0xFFFF8000  }
0x22a: {  	[tilespmem:s8], [sflag:$0x2] =	stream.linear.gather [hbm4b:s21+s2], $0x8000, $0x38;
	[tilespmem:$0x10000] =	vst v63  }
0x22b: {  	_ =	swait.ge [sflag:s10], $0x8000  }
0x22c: {  	[sflag:s10] =	ssyncset.done $0x0  }
0x22d: {  	[sflag:s10] =	ssyncadd.s32 $0xFFFF8000  }
0x22e: {  	[hbm4b:s20+s2] =	stream.linear.scatter [tilespmem:s8], [sflag:$0x4], $0x8000, $0x38;
	[tilespmem:$0x10000] =	vst v63  }
0x22f: {  	_ =	swait.ge [sflag:s7], $0x8000  }
0x230: {  	[sflag:s7] =	ssyncset.done $0x0  }
0x231: {  	[sflag:s7] =	ssyncadd.s32 $0xFFFF8000  }
0x232: {  	[tilespmem:s2], [sflag:$0x1] =	stream.linear.gather [hbm4b:s19+s2], $0x8000, $0x38;
	[tilespmem:$0x10000] =	vst v63  }
0x233: {  	_ =	swait.ge [sflag:s13], $0x8000  }
0x234: {  	[sflag:s13] =	ssyncset.done $0x0  }
0x235: {  	[sflag:s13] =	ssyncadd.s32 $0xFFFF8000  }
0x236: {  	[hbm4b:s18+s2] =	stream.linear.scatter [tilespmem:s2], [sflag:$0x3], $0x8000, $0x38;
	[tilespmem:$0x10000] =	vst v63  }
0x237: {  	_ =	swait.ge [sflag:s5], $0x8000  }
0x238: {  	[sflag:s5] =	ssyncset.done $0x0  }
0x239: {  	[sflag:s5] =	ssyncadd.s32 $0xFFFF8000  }
0x23a: {  	[tilespmem:s8], [sflag:$0x2] =	stream.linear.gather [hbm4b:s17+s2], $0x8000, $0x38;
	[tilespmem:$0x10000] =	vst v63  }
0x23b: {  	_ =	swait.ge [sflag:s10], $0x8000  }
0x23c: {  	[sflag:s10] =	ssyncset.done $0x0  }
0x23d: {  	[sflag:s10] =	ssyncadd.s32 $0xFFFF8000  }
0x23e: {  	[hbm4b:s16+s2] =	stream.linear.scatter [tilespmem:s8], [sflag:$0x4], $0x8000, $0x38;
	[tilespmem:$0x10000] =	vst v63  }
0x23f: {  	_ =	swait.ge [sflag:s7], $0x8000  }
0x240: {  	[sflag:s7] =	ssyncset.done $0x0  }
0x241: {  	[sflag:s7] =	ssyncadd.s32 $0xFFFF8000  }
0x242: {  	[tilespmem:s2], [sflag:$0x1] =	stream.linear.gather [hbm4b:s15+s2], $0x8000, $0x38;
	[tilespmem:$0x10000] =	vst v63  }
0x243: {  	_ =	swait.ge [sflag:s13], $0x8000  }
0x244: {  	[sflag:s13] =	ssyncset.done $0x0  }
0x245: {  	[sflag:s13] =	ssyncadd.s32 $0xFFFF8000  }
0x246: {  	[hbm4b:s14+s2] =	stream.linear.scatter [tilespmem:s2], [sflag:$0x3], $0x8000, $0x38;
	[tilespmem:$0x10000] =	vst v63  }
0x247: {  	_ =	swait.ge [sflag:s5], $0x8000  }
0x248: {  	[sflag:s5] =	ssyncset.done $0x0  }
0x249: {  	[sflag:s5] =	ssyncadd.s32 $0xFFFF8000  }
0x24a: {  	[tilespmem:s8], [sflag:$0x2] =	stream.linear.gather [hbm4b:s12+s2], $0x8000, $0x38;
	[tilespmem:$0x10000] =	vst v63  }
0x24b: {  	_ =	swait.ge [sflag:s10], $0x8000  }
0x24c: {  	[sflag:s10] =	ssyncset.done $0x0  }
0x24d: {  	[sflag:s10] =	ssyncadd.s32 $0xFFFF8000  }
0x24e: {  	[hbm4b:s11+s2] =	stream.linear.scatter [tilespmem:s8], [sflag:$0x4], $0x8000, $0x38;
	[tilespmem:$0x10000] =	vst v63  }
0x24f: {  	_ =	swait.ge [sflag:s7], $0x8000  }
0x250: {  	[sflag:s7] =	ssyncset.done $0x0  }
0x251: {  	[sflag:s7] =	ssyncadd.s32 $0xFFFF8000  }
0x252: {  	[tilespmem:s2], [sflag:$0x1] =	stream.linear.gather [hbm4b:s9+s2], $0x8000, $0x38;
	[tilespmem:$0x10000] =	vst v63  }
0x253: {  	_ =	swait.ge [sflag:s13], $0x8000  }
0x254: {  	[sflag:s13] =	ssyncset.done $0x0  }
0x255: {  	[sflag:s13] =	ssyncadd.s32 $0xFFFF8000  }
0x256: {  	[hbm4b:s6+s2] =	stream.linear.scatter [tilespmem:s2], [sflag:$0x3], $0x8000, $0x38;
	[tilespmem:$0x10000] =	vst v63  }
0x257: {  	_ =	swait.ge [sflag:s5], $0x8000  }
0x258: {  	[sflag:s5] =	ssyncset.done $0x0  }
0x259: {  	[sflag:s5] =	ssyncadd.s32 $0xFFFF8000  }
0x25a: {  	[tilespmem:s8], [sflag:$0x2] =	stream.linear.gather [hbm4b:s4+s2], $0x8000, $0x38;
	[tilespmem:$0x10000] =	vst v63  }
0x25b: {  	_ =	swait.ge [sflag:s10], $0x8000  }
0x25c: {  	[sflag:s10] =	ssyncset.done $0x0  }
0x25d: {  	[sflag:s10] =	ssyncadd.s32 $0xFFFF8000  }
0x25e: {  	[hbm4b:s3+s2] =	stream.linear.scatter [tilespmem:s8], [sflag:$0x4], $0x8000, $0x38;
	[tilespmem:$0x10000] =	vst v63  }
.Ltmp2:
0x25f: {  	_ =	swait.ge [sflag:s7], $0x8000;
	(pc) =	sbr.rel @p1 .LBB2_2-.Ltmp2, $4  }
0x260: {  	[sflag:s7] =	ssyncset.done $0x0  }
0x261: {  	[sflag:s7] =	ssyncadd.s32 $0xFFFF8000  }
0x262: {  	_ =	swait.ge [sflag:s5], $0x8000  }
0x263: {  	s1 =	rddreg [dreg:$0x3];
	[sflag:s5] =	ssyncset.done $0x0  }
.LBB2_3:
0x264: {  	[sflag:s5] =	ssyncadd.s32 @p0 $0xFFFF8000  }
0x265: {  	[tilespmem:s2], [sflag:$0x1] =	stream.linear.gather [hbm4b:s1+s2], $0x8000, $0x38;
	[tilespmem:$0x10000] =	vst v63  }
0x266: {  	_ =	swait.ge [sflag:s13], $0x8000  }
0x267: {  	[sflag:s13] =	ssyncset.done $0x0  }
0x268: {  	s0 =	rddreg [dreg:$0x4];
	[sflag:s13] =	ssyncadd.s32 $0xFFFF8000  }
0x269: {  	[hbm4b:s0+s2] =	stream.linear.scatter [tilespmem:s2], [sflag:$0x3], $0x8000, $0x38;
	[tilespmem:$0x10000] =	vst v63  }
0x26a: {  	s1 =	rddreg [dreg:$0x5]  }
0x26b: {  	[tilespmem:s8], [sflag:$0x2] =	stream.linear.gather [hbm4b:s1+s2], $0x8000, $0x38;
	[tilespmem:$0x10000] =	vst v63  }
0x26c: {  	_ =	swait.ge [sflag:s10], $0x8000  }
0x26d: {  	[sflag:s10] =	ssyncset.done $0x0  }
0x26e: {  	s1 =	rddreg [dreg:$0x6];
	[sflag:s10] =	ssyncadd.s32 $0xFFFF8000  }
0x26f: {  	[hbm4b:s1+s2] =	stream.linear.scatter [tilespmem:s8], [sflag:$0x4], $0x8000, $0x38;
	[tilespmem:$0x10000] =	vst v63  }
0x270: {  	_ =	swait.ge [sflag:s7], $0x8000  }
0x271: {  	[sflag:s7] =	ssyncset.done $0x0  }
0x272: {  	s1 =	rddreg [dreg:$0x7];
	[sflag:s7] =	ssyncadd.s32 $0xFFFF8000  }
0x273: {  	[tilespmem:s2], [sflag:$0x1] =	stream.linear.gather [hbm4b:s1+s2], $0x8000, $0x38;
	[tilespmem:$0x10000] =	vst v63  }
0x274: {  	_ =	swait.ge [sflag:s13], $0x8000  }
0x275: {  	[sflag:s13] =	ssyncset.done $0x0  }
0x276: {  	s1 =	rddreg [dreg:$0x8];
	[sflag:s13] =	ssyncadd.s32 $0xFFFF8000  }
0x277: {  	[hbm4b:s1+s2] =	stream.linear.scatter [tilespmem:s2], [sflag:$0x3], $0x8000, $0x38;
	[tilespmem:$0x10000] =	vst v63  }
0x278: {  	_ =	swait.ge [sflag:s5], $0x8000  }
0x279: {  	[sflag:s5] =	ssyncset.done $0x0  }
0x27a: {  	s1 =	rddreg [dreg:$0x9];
	[sflag:s5] =	ssyncadd.s32 $0xFFFF8000  }
0x27b: {  	[tilespmem:s8], [sflag:$0x2] =	stream.linear.gather [hbm4b:s1+s2], $0x8000, $0x38;
	[tilespmem:$0x10000] =	vst v63  }
0x27c: {  	_ =	swait.ge [sflag:s10], $0x8000  }
0x27d: {  	[sflag:s10] =	ssyncset.done $0x0  }
0x27e: {  	s1 =	rddreg [dreg:$0xa];
	[sflag:s10] =	ssyncadd.s32 $0xFFFF8000  }
0x27f: {  	[hbm4b:s1+s2] =	stream.linear.scatter [tilespmem:s8], [sflag:$0x4], $0x8000, $0x38;
	[tilespmem:$0x10000] =	vst v63  }
0x280: {  	_ =	swait.ge [sflag:s7], $0x8000  }
0x281: {  	[sflag:s7] =	ssyncset.done $0x0  }
0x282: {  	s1 =	rddreg [dreg:$0xb];
	[sflag:s7] =	ssyncadd.s32 $0xFFFF8000  }
0x283: {  	[tilespmem:s2], [sflag:$0x1] =	stream.linear.gather [hbm4b:s1+s2], $0x8000, $0x38;
	[tilespmem:$0x10000] =	vst v63  }
0x284: {  	_ =	swait.ge [sflag:s13], $0x8000  }
0x285: {  	[sflag:s13] =	ssyncset.done $0x0  }
0x286: {  	s1 =	rddreg [dreg:$0xc];
	[sflag:s13] =	ssyncadd.s32 $0xFFFF8000  }
0x287: {  	[hbm4b:s1+s2] =	stream.linear.scatter [tilespmem:s2], [sflag:$0x3], $0x8000, $0x38;
	[tilespmem:$0x10000] =	vst v63  }
0x288: {  	_ =	swait.ge [sflag:s5], $0x8000  }
0x289: {  	[sflag:s5] =	ssyncset.done $0x0  }
0x28a: {  	s1 =	rddreg [dreg:$0xd];
	[sflag:s5] =	ssyncadd.s32 $0xFFFF8000  }
0x28b: {  	[tilespmem:s8], [sflag:$0x2] =	stream.linear.gather [hbm4b:s1+s2], $0x8000, $0x38;
	[tilespmem:$0x10000] =	vst v63  }
0x28c: {  	_ =	swait.ge [sflag:s10], $0x8000  }
0x28d: {  	[sflag:s10] =	ssyncset.done $0x0  }
0x28e: {  	s1 =	rddreg [dreg:$0xe];
	[sflag:s10] =	ssyncadd.s32 $0xFFFF8000  }
0x28f: {  	[hbm4b:s1+s2] =	stream.linear.scatter [tilespmem:s8], [sflag:$0x4], $0x8000, $0x38;
	[tilespmem:$0x10000] =	vst v63  }
0x290: {  	_ =	swait.ge [sflag:s7], $0x8000  }
0x291: {  	[sflag:s7] =	ssyncset.done $0x0  }
0x292: {  	s1 =	rddreg [dreg:$0xf];
	[sflag:s7] =	ssyncadd.s32 $0xFFFF8000  }
0x293: {  	[tilespmem:s2], [sflag:$0x1] =	stream.linear.gather [hbm4b:s1+s2], $0x8000, $0x38;
	[tilespmem:$0x10000] =	vst v63  }
0x294: {  	_ =	swait.ge [sflag:s13], $0x8000  }
0x295: {  	[sflag:s13] =	ssyncset.done $0x0  }
0x296: {  	s1 =	rddreg [dreg:$0x10];
	[sflag:s13] =	ssyncadd.s32 $0xFFFF8000  }
0x297: {  	[hbm4b:s1+s2] =	stream.linear.scatter [tilespmem:s2], [sflag:$0x3], $0x8000, $0x38;
	[tilespmem:$0x10000] =	vst v63  }
0x298: {  	_ =	swait.ge [sflag:s5], $0x8000  }
0x299: {  	[sflag:s5] =	ssyncset.done $0x0  }
0x29a: {  	s1 =	rddreg [dreg:$0x11];
	[sflag:s5] =	ssyncadd.s32 $0xFFFF8000  }
0x29b: {  	[tilespmem:s8], [sflag:$0x2] =	stream.linear.gather [hbm4b:s1+s2], $0x8000, $0x38;
	[tilespmem:$0x10000] =	vst v63  }
0x29c: {  	_ =	swait.ge [sflag:s10], $0x8000  }
0x29d: {  	[sflag:s10] =	ssyncset.done $0x0  }
0x29e: {  	s1 =	rddreg [dreg:$0x12];
	[sflag:s10] =	ssyncadd.s32 $0xFFFF8000  }
0x29f: {  	[hbm4b:s1+s2] =	stream.linear.scatter [tilespmem:s8], [sflag:$0x4], $0x8000, $0x38;
	[tilespmem:$0x10000] =	vst v63  }
0x2a0: {  	_ =	swait.ge [sflag:s7], $0x8000  }
0x2a1: {  	[sflag:s7] =	ssyncset.done $0x0  }
0x2a2: {  	s1 =	rddreg [dreg:$0x13];
	[sflag:s7] =	ssyncadd.s32 $0xFFFF8000  }
0x2a3: {  	[tilespmem:s2], [sflag:$0x1] =	stream.linear.gather [hbm4b:s1+s2], $0x8000, $0x38;
	[tilespmem:$0x10000] =	vst v63  }
0x2a4: {  	_ =	swait.ge [sflag:s13], $0x8000  }
0x2a5: {  	[sflag:s13] =	ssyncset.done $0x0  }
0x2a6: {  	s1 =	rddreg [dreg:$0x14];
	[sflag:s13] =	ssyncadd.s32 $0xFFFF8000  }
0x2a7: {  	[hbm4b:s1+s2] =	stream.linear.scatter [tilespmem:s2], [sflag:$0x3], $0x8000, $0x38;
	[tilespmem:$0x10000] =	vst v63  }
0x2a8: {  	_ =	swait.ge [sflag:s5], $0x8000  }
0x2a9: {  	[sflag:s5] =	ssyncset.done $0x0  }
0x2aa: {  	s1 =	rddreg [dreg:$0x15];
	[sflag:s5] =	ssyncadd.s32 $0xFFFF8000  }
0x2ab: {  	[tilespmem:s8], [sflag:$0x2] =	stream.linear.gather [hbm4b:s1+s2], $0x8000, $0x38;
	[tilespmem:$0x10000] =	vst v63  }
0x2ac: {  	_ =	swait.ge [sflag:s10], $0x8000  }
0x2ad: {  	[sflag:s10] =	ssyncset.done $0x0  }
0x2ae: {  	s1 =	rddreg [dreg:$0x16];
	[sflag:s10] =	ssyncadd.s32 $0xFFFF8000  }
0x2af: {  	[hbm4b:s1+s2] =	stream.linear.scatter [tilespmem:s8], [sflag:$0x4], $0x8000, $0x38;
	[tilespmem:$0x10000] =	vst v63  }
0x2b0: {  	_ =	swait.ge [sflag:s7], $0x8000  }
0x2b1: {  	[sflag:s7] =	ssyncset.done $0x0  }
0x2b2: {  	s1 =	rddreg [dreg:$0x17];
	[sflag:s7] =	ssyncadd.s32 $0xFFFF8000  }
0x2b3: {  	[tilespmem:s2], [sflag:$0x1] =	stream.linear.gather [hbm4b:s1+s2], $0x8000, $0x38;
	[tilespmem:$0x10000] =	vst v63  }
0x2b4: {  	_ =	swait.ge [sflag:s13], $0x8000  }
0x2b5: {  	[sflag:s13] =	ssyncset.done $0x0  }
0x2b6: {  	s1 =	rddreg [dreg:$0x18];
	[sflag:s13] =	ssyncadd.s32 $0xFFFF8000  }
0x2b7: {  	[hbm4b:s1+s2] =	stream.linear.scatter [tilespmem:s2], [sflag:$0x3], $0x8000, $0x38;
	[tilespmem:$0x10000] =	vst v63  }
0x2b8: {  	_ =	swait.ge [sflag:s5], $0x8000  }
0x2b9: {  	[sflag:s5] =	ssyncset.done $0x0  }
0x2ba: {  	s1 =	rddreg [dreg:$0x19];
	[sflag:s5] =	ssyncadd.s32 $0xFFFF8000  }
0x2bb: {  	[tilespmem:s8], [sflag:$0x2] =	stream.linear.gather [hbm4b:s1+s2], $0x8000, $0x38;
	[tilespmem:$0x10000] =	vst v63  }
0x2bc: {  	_ =	swait.ge [sflag:s10], $0x8000  }
0x2bd: {  	[sflag:s10] =	ssyncset.done $0x0  }
0x2be: {  	s1 =	rddreg [dreg:$0x1a];
	[sflag:s10] =	ssyncadd.s32 $0xFFFF8000  }
0x2bf: {  	[hbm4b:s1+s2] =	stream.linear.scatter [tilespmem:s8], [sflag:$0x4], $0x8000, $0x38;
	[tilespmem:$0x10000] =	vst v63  }
0x2c0: {  	_ =	swait.ge [sflag:s7], $0x8000  }
0x2c1: {  	[sflag:s7] =	ssyncset.done $0x0  }
0x2c2: {  	s1 =	rddreg [dreg:$0x1b];
	[sflag:s7] =	ssyncadd.s32 $0xFFFF8000  }
0x2c3: {  	[tilespmem:s2], [sflag:$0x1] =	stream.linear.gather [hbm4b:s1+s2], $0x8000, $0x38;
	[tilespmem:$0x10000] =	vst v63  }
0x2c4: {  	_ =	swait.ge [sflag:s13], $0x8000  }
0x2c5: {  	[sflag:s13] =	ssyncset.done $0x0  }
0x2c6: {  	s1 =	rddreg [dreg:$0x1c];
	[sflag:s13] =	ssyncadd.s32 $0xFFFF8000  }
0x2c7: {  	[hbm4b:s1+s2] =	stream.linear.scatter [tilespmem:s2], [sflag:$0x3], $0x8000, $0x38;
	[tilespmem:$0x10000] =	vst v63  }
0x2c8: {  	_ =	swait.ge [sflag:s5], $0x8000  }
0x2c9: {  	[sflag:s5] =	ssyncset.done $0x0  }
0x2ca: {  	s1 =	rddreg [dreg:$0x1d];
	[sflag:s5] =	ssyncadd.s32 $0xFFFF8000  }
0x2cb: {  	[tilespmem:s8], [sflag:$0x2] =	stream.linear.gather [hbm4b:s1+s2], $0x8000, $0x38;
	[tilespmem:$0x10000] =	vst v63  }
0x2cc: {  	_ =	swait.ge [sflag:s10], $0x8000  }
0x2cd: {  	[sflag:s10] =	ssyncset.done $0x0  }
0x2ce: {  	s1 =	rddreg [dreg:$0x1e];
	[sflag:s10] =	ssyncadd.s32 $0xFFFF8000  }
0x2cf: {  	[hbm4b:s1+s2] =	stream.linear.scatter [tilespmem:s8], [sflag:$0x4], $0x8000, $0x38;
	[tilespmem:$0x10000] =	vst v63  }
0x2d0: {  	_ =	swait.ge [sflag:s7], $0x8000  }
0x2d1: {  	[sflag:s7] =	ssyncset.done $0x0  }
0x2d2: {  	s1 =	rddreg [dreg:$0x1f];
	[sflag:s7] =	ssyncadd.s32 $0xFFFF8000  }
0x2d3: {  	[tilespmem:s2], [sflag:$0x1] =	stream.linear.gather [hbm4b:s1+s2], $0x8000, $0x38;
	[tilespmem:$0x10000] =	vst v63  }
0x2d4: {  	_ =	swait.ge [sflag:s13], $0x8000  }
0x2d5: {  	s1 =	sld [smem:$0x7F2]  }
0x2d6: {  	[sflag:s13] =	ssyncset.done $0x0  }
0x2d7: {  	[sflag:s13] =	ssyncadd.s32 $0xFFFF8000  }
0x2d8: {  	[hbm4b:s1+s2] =	stream.linear.scatter [tilespmem:s2], [sflag:$0x3], $0x8000, $0x38;
	[tilespmem:$0x10000] =	vst v63  }
0x2d9: {  	_ =	swait.ge [sflag:s5], $0x8000  }
0x2da: {  	s1 =	sld [smem:$0x7F3]  }
0x2db: {  	[sflag:s5] =	ssyncset.done $0x0  }
0x2dc: {  	[sflag:s5] =	ssyncadd.s32 $0xFFFF8000  }
0x2dd: {  	[tilespmem:s8], [sflag:$0x2] =	stream.linear.gather [hbm4b:s1+s2], $0x8000, $0x38;
	[tilespmem:$0x10000] =	vst v63  }
0x2de: {  	_ =	swait.ge [sflag:s10], $0x8000  }
0x2df: {  	s1 =	sld [smem:$0x7F4]  }
0x2e0: {  	[sflag:s10] =	ssyncset.done $0x0  }
0x2e1: {  	[sflag:s10] =	ssyncadd.s32 $0xFFFF8000  }
0x2e2: {  	[hbm4b:s1+s2] =	stream.linear.scatter [tilespmem:s8], [sflag:$0x4], $0x8000, $0x38;
	[tilespmem:$0x10000] =	vst v63  }
0x2e3: {  	_ =	swait.ge [sflag:s7], $0x8000  }
0x2e4: {  	s1 =	sld [smem:$0x7F5]  }
0x2e5: {  	[sflag:s7] =	ssyncset.done $0x0  }
0x2e6: {  	[sflag:s7] =	ssyncadd.s32 $0xFFFF8000  }
0x2e7: {  	[tilespmem:s2], [sflag:$0x1] =	stream.linear.gather [hbm4b:s1+s2], $0x8000, $0x38;
	[tilespmem:$0x10000] =	vst v63  }
0x2e8: {  	_ =	swait.ge [sflag:s13], $0x8000  }
0x2e9: {  	s1 =	sld [smem:$0x7F6]  }
0x2ea: {  	[sflag:s13] =	ssyncset.done $0x0  }
0x2eb: {  	[sflag:s13] =	ssyncadd.s32 $0xFFFF8000  }
0x2ec: {  	[hbm4b:s1+s2] =	stream.linear.scatter [tilespmem:s2], [sflag:$0x3], $0x8000, $0x38;
	[tilespmem:$0x10000] =	vst v63  }
0x2ed: {  	_ =	swait.ge [sflag:s5], $0x8000  }
0x2ee: {  	s1 =	sld [smem:$0x7F7]  }
0x2ef: {  	[sflag:s5] =	ssyncset.done $0x0  }
0x2f0: {  	[sflag:s5] =	ssyncadd.s32 $0xFFFF8000  }
0x2f1: {  	[tilespmem:s8], [sflag:$0x2] =	stream.linear.gather [hbm4b:s1+s2], $0x8000, $0x38;
	[tilespmem:$0x10000] =	vst v63  }
0x2f2: {  	_ =	swait.ge [sflag:s10], $0x8000  }
0x2f3: {  	s1 =	sld [smem:$0x7F8]  }
0x2f4: {  	[sflag:s10] =	ssyncset.done $0x0  }
0x2f5: {  	[sflag:s10] =	ssyncadd.s32 $0xFFFF8000  }
0x2f6: {  	[hbm4b:s1+s2] =	stream.linear.scatter [tilespmem:s8], [sflag:$0x4], $0x8000, $0x38;
	[tilespmem:$0x10000] =	vst v63  }
0x2f7: {  	_ =	swait.ge [sflag:s7], $0x8000  }
0x2f8: {  	s1 =	sld [smem:$0x7F9]  }
0x2f9: {  	[sflag:s7] =	ssyncset.done $0x0  }
0x2fa: {  	[sflag:s7] =	ssyncadd.s32 $0xFFFF8000  }
0x2fb: {  	[tilespmem:s2], [sflag:$0x1] =	stream.linear.gather [hbm4b:s1+s2], $0x8000, $0x38;
	[tilespmem:$0x10000] =	vst v63  }
0x2fc: {  	_ =	swait.ge [sflag:s13], $0x8000  }
0x2fd: {  	s1 =	sld [smem:$0x7FA]  }
0x2fe: {  	[sflag:s13] =	ssyncset.done $0x0  }
0x2ff: {  	[sflag:s13] =	ssyncadd.s32 $0xFFFF8000  }
0x300: {  	[hbm4b:s1+s2] =	stream.linear.scatter [tilespmem:s2], [sflag:$0x3], $0x8000, $0x38;
	[tilespmem:$0x10000] =	vst v63  }
0x301: {  	_ =	swait.ge [sflag:s5], $0x8000  }
0x302: {  	s1 =	sld [smem:$0x7FB]  }
0x303: {  	[sflag:s5] =	ssyncset.done $0x0  }
0x304: {  	[sflag:s5] =	ssyncadd.s32 $0xFFFF8000  }
0x305: {  	[tilespmem:s8], [sflag:$0x2] =	stream.linear.gather [hbm4b:s1+s2], $0x8000, $0x38;
	[tilespmem:$0x10000] =	vst v63  }
0x306: {  	_ =	swait.ge [sflag:s10], $0x8000  }
0x307: {  	s1 =	sld [smem:$0x7FC]  }
0x308: {  	[sflag:s10] =	ssyncset.done $0x0  }
0x309: {  	[sflag:s10] =	ssyncadd.s32 $0xFFFF8000  }
0x30a: {  	[hbm4b:s1+s2] =	stream.linear.scatter [tilespmem:s8], [sflag:$0x4], $0x8000, $0x38;
	[tilespmem:$0x10000] =	vst v63  }
0x30b: {  	_ =	swait.ge [sflag:s7], $0x8000  }
0x30c: {  	s1 =	sld [smem:$0x7FD]  }
0x30d: {  	[sflag:s7] =	ssyncset.done $0x0  }
0x30e: {  	[sflag:s7] =	ssyncadd.s32 $0xFFFF8000  }
0x30f: {  	[tilespmem:s2], [sflag:$0x1] =	stream.linear.gather [hbm4b:s1+s2], $0x8000, $0x38;
	[tilespmem:$0x10000] =	vst v63  }
0x310: {  	_ =	swait.ge [sflag:s13], $0x8000  }
0x311: {  	[sflag:s13] =	ssyncset.done $0x0  }
0x312: {  	[sflag:s13] =	ssyncadd.s32 $0xFFFF8000  }
0x313: {  	[hbm4b:s31+s2] =	stream.linear.scatter [tilespmem:s2], [sflag:$0x3], $0x8000, $0x38;
	[tilespmem:$0x10000] =	vst v63  }
0x314: {  	_ =	swait.ge [sflag:s5], $0x8000  }
0x315: {  	[sflag:s5] =	ssyncset.done $0x0  }
0x316: {  	[sflag:s5] =	ssyncadd.s32 $0xFFFF8000  }
0x317: {  	[tilespmem:s8], [sflag:$0x2] =	stream.linear.gather [hbm4b:s30+s2], $0x8000, $0x38;
	[tilespmem:$0x10000] =	vst v63  }
0x318: {  	_ =	swait.ge [sflag:s10], $0x8000  }
0x319: {  	[sflag:s10] =	ssyncset.done $0x0  }
0x31a: {  	[sflag:s10] =	ssyncadd.s32 $0xFFFF8000  }
0x31b: {  	[hbm4b:s29+s2] =	stream.linear.scatter [tilespmem:s8], [sflag:$0x4], $0x8000, $0x38;
	[tilespmem:$0x10000] =	vst v63  }
0x31c: {  	_ =	swait.ge [sflag:s7], $0x8000  }
0x31d: {  	[sflag:s7] =	ssyncset.done $0x0  }
0x31e: {  	[sflag:s7] =	ssyncadd.s32 $0xFFFF8000  }
0x31f: {  	[tilespmem:s2], [sflag:$0x1] =	stream.linear.gather [hbm4b:s28+s2], $0x8000, $0x38;
	[tilespmem:$0x10000] =	vst v63  }
0x320: {  	_ =	swait.ge [sflag:s13], $0x8000  }
0x321: {  	[sflag:s13] =	ssyncset.done $0x0  }
0x322: {  	[sflag:s13] =	ssyncadd.s32 $0xFFFF8000  }
0x323: {  	[hbm4b:s26+s2] =	stream.linear.scatter [tilespmem:s2], [sflag:$0x3], $0x8000, $0x38;
	[tilespmem:$0x10000] =	vst v63  }
0x324: {  	_ =	swait.ge [sflag:s5], $0x8000  }
0x325: {  	[sflag:s5] =	ssyncset.done $0x0  }
0x326: {  	[sflag:s5] =	ssyncadd.s32 $0xFFFF8000  }
0x327: {  	[tilespmem:s8], [sflag:$0x2] =	stream.linear.gather [hbm4b:s25+s2], $0x8000, $0x38;
	[tilespmem:$0x10000] =	vst v63  }
0x328: {  	_ =	swait.ge [sflag:s10], $0x8000  }
0x329: {  	[sflag:s10] =	ssyncset.done $0x0  }
0x32a: {  	[sflag:s10] =	ssyncadd.s32 $0xFFFF8000  }
0x32b: {  	[hbm4b:s24+s2] =	stream.linear.scatter [tilespmem:s8], [sflag:$0x4], $0x8000, $0x38;
	[tilespmem:$0x10000] =	vst v63  }
0x32c: {  	_ =	swait.ge [sflag:s7], $0x8000  }
0x32d: {  	[sflag:s7] =	ssyncset.done $0x0  }
0x32e: {  	[sflag:s7] =	ssyncadd.s32 $0xFFFF8000  }
0x32f: {  	[tilespmem:s2], [sflag:$0x1] =	stream.linear.gather [hbm4b:s23+s2], $0x8000, $0x38;
	[tilespmem:$0x10000] =	vst v63  }
0x330: {  	_ =	swait.ge [sflag:s13], $0x8000  }
0x331: {  	[sflag:s13] =	ssyncset.done $0x0  }
0x332: {  	[sflag:s13] =	ssyncadd.s32 $0xFFFF8000  }
0x333: {  	[hbm4b:s22+s2] =	stream.linear.scatter [tilespmem:s2], [sflag:$0x3], $0x8000, $0x38;
	[tilespmem:$0x10000] =	vst v63  }
0x334: {  	_ =	swait.ge [sflag:s5], $0x8000  }
0x335: {  	[sflag:s5] =	ssyncset.done $0x0  }
0x336: {  	[sflag:s5] =	ssyncadd.s32 $0xFFFF8000  }
0x337: {  	[tilespmem:s8], [sflag:$0x2] =	stream.linear.gather [hbm4b:s21+s2], $0x8000, $0x38;
	[tilespmem:$0x10000] =	vst v63  }
0x338: {  	_ =	swait.ge [sflag:s10], $0x8000  }
0x339: {  	[sflag:s10] =	ssyncset.done $0x0  }
0x33a: {  	[sflag:s10] =	ssyncadd.s32 $0xFFFF8000  }
0x33b: {  	[hbm4b:s20+s2] =	stream.linear.scatter [tilespmem:s8], [sflag:$0x4], $0x8000, $0x38;
	[tilespmem:$0x10000] =	vst v63  }
0x33c: {  	_ =	swait.ge [sflag:s7], $0x8000  }
0x33d: {  	[sflag:s7] =	ssyncset.done $0x0  }
0x33e: {  	[sflag:s7] =	ssyncadd.s32 $0xFFFF8000  }
0x33f: {  	[tilespmem:s2], [sflag:$0x1] =	stream.linear.gather [hbm4b:s19+s2], $0x8000, $0x38;
	[tilespmem:$0x10000] =	vst v63  }
0x340: {  	_ =	swait.ge [sflag:s13], $0x8000  }
0x341: {  	[sflag:s13] =	ssyncset.done $0x0  }
0x342: {  	[sflag:s13] =	ssyncadd.s32 $0xFFFF8000  }
0x343: {  	[hbm4b:s18+s2] =	stream.linear.scatter [tilespmem:s2], [sflag:$0x3], $0x8000, $0x38;
	[tilespmem:$0x10000] =	vst v63  }
0x344: {  	_ =	swait.ge [sflag:s5], $0x8000  }
0x345: {  	[sflag:s5] =	ssyncset.done $0x0  }
0x346: {  	[sflag:s5] =	ssyncadd.s32 $0xFFFF8000  }
0x347: {  	[tilespmem:s8], [sflag:$0x2] =	stream.linear.gather [hbm4b:s17+s2], $0x8000, $0x38;
	[tilespmem:$0x10000] =	vst v63  }
0x348: {  	_ =	swait.ge [sflag:s10], $0x8000  }
0x349: {  	[sflag:s10] =	ssyncset.done $0x0  }
0x34a: {  	[sflag:s10] =	ssyncadd.s32 $0xFFFF8000  }
0x34b: {  	[hbm4b:s16+s2] =	stream.linear.scatter [tilespmem:s8], [sflag:$0x4], $0x8000, $0x38;
	[tilespmem:$0x10000] =	vst v63  }
0x34c: {  	_ =	swait.ge [sflag:s7], $0x8000  }
0x34d: {  	[sflag:s7] =	ssyncset.done $0x0  }
0x34e: {  	[sflag:s7] =	ssyncadd.s32 $0xFFFF8000  }
0x34f: {  	[tilespmem:s2], [sflag:$0x1] =	stream.linear.gather [hbm4b:s15+s2], $0x8000, $0x38;
	[tilespmem:$0x10000] =	vst v63  }
0x350: {  	_ =	swait.ge [sflag:s13], $0x8000  }
0x351: {  	[sflag:s13] =	ssyncset.done $0x0  }
0x352: {  	[sflag:s13] =	ssyncadd.s32 $0xFFFF8000  }
0x353: {  	[hbm4b:s14+s2] =	stream.linear.scatter [tilespmem:s2], [sflag:$0x3], $0x8000, $0x38;
	[tilespmem:$0x10000] =	vst v63  }
0x354: {  	_ =	swait.ge [sflag:s5], $0x8000  }
0x355: {  	[sflag:s5] =	ssyncset.done $0x0  }
0x356: {  	[sflag:s5] =	ssyncadd.s32 $0xFFFF8000  }
0x357: {  	[tilespmem:s8], [sflag:$0x2] =	stream.linear.gather [hbm4b:s12+s2], $0x8000, $0x38;
	[tilespmem:$0x10000] =	vst v63  }
0x358: {  	_ =	swait.ge [sflag:s10], $0x8000  }
0x359: {  	[sflag:s10] =	ssyncset.done $0x0  }
0x35a: {  	[sflag:s10] =	ssyncadd.s32 $0xFFFF8000  }
0x35b: {  	[hbm4b:s11+s2] =	stream.linear.scatter [tilespmem:s8], [sflag:$0x4], $0x8000, $0x38;
	[tilespmem:$0x10000] =	vst v63  }
0x35c: {  	_ =	swait.ge [sflag:s7], $0x8000  }
0x35d: {  	[sflag:s7] =	ssyncset.done $0x0  }
0x35e: {  	[sflag:s7] =	ssyncadd.s32 $0xFFFF8000  }
0x35f: {  	[tilespmem:s2], [sflag:$0x1] =	stream.linear.gather [hbm4b:s9+s2], $0x8000, $0x38;
	[tilespmem:$0x10000] =	vst v63  }
0x360: {  	_ =	swait.ge [sflag:s13], $0x8000  }
0x361: {  	[sflag:s13] =	ssyncset.done $0x0  }
0x362: {  	[sflag:s13] =	ssyncadd.s32 $0xFFFF8000  }
0x363: {  	[hbm4b:s6+s2] =	stream.linear.scatter [tilespmem:s2], [sflag:$0x3], $0x8000, $0x38;
	[tilespmem:$0x10000] =	vst v63  }
0x364: {  	_ =	swait.ge [sflag:s5], $0x8000  }
0x365: {  	[sflag:s5] =	ssyncset.done $0x0  }
0x366: {  	[sflag:s5] =	ssyncadd.s32 $0xFFFF8000  }
0x367: {  	[tilespmem:s8], [sflag:$0x2] =	stream.linear.gather [hbm4b:s4+s2], $0x8000, $0x38;
	[tilespmem:$0x10000] =	vst v63  }
0x368: {  	_ =	swait.ge [sflag:s10], $0x8000  }
0x369: {  	[sflag:s10] =	ssyncset.done $0x0  }
0x36a: {  	[sflag:s10] =	ssyncadd.s32 $0xFFFF8000  }
0x36b: {  	[hbm4b:s3+s2] =	stream.linear.scatter [tilespmem:s8], [sflag:$0x4], $0x8000, $0x38;
	[tilespmem:$0x10000] =	vst v63  }
0x36c: {  	_ =	swait.ge [sflag:s7], $0x8000  }
0x36d: {  	[sflag:s7] =	ssyncset.done $0x0  }
0x36e: {  	[sflag:s7] =	ssyncadd.s32 $0xFFFF8000  }
0x36f: {  	_ =	swait.ge [sflag:s5], $0x8000  }
0x370: {  	[sflag:s5] =	ssyncset.done $0x0  }
0x371: {  	[sflag:s5] =	ssyncadd.s32 $0xFFFF8000  }
0x372: {  	_ =	sfence.sel $0x180000  }
0x373: {  	[bflag:$0x0] =	sbarrier.arrive $0xFFFF  }
0x374: {  	_ =	strace $0x90000047  }
0x375: {  	s31 =	stileid.u32;
	[bflag:$0x2] =	sbarrier.arrive $0xFFFF  }
0x376: {  	p0 =	sne.s32 s31, $0x0;
	s0 =	rddreg [dreg:$0x2]  }
0x377: {  	s0 =	sadd.s32 @!p0 $0x100000, s0  }
0x378: {  	[sflag:s0] =	ssyncadd.tile.s32 @!p0 $0x1;
	_ =	shalt  }
.Lfunc_end2:
_tile_overlayer_lowered:
.L_overlay_start_2:
0x379: {  	(tag) =	ssettag $0x2  }
0x37a: {  	s0 =	rddreg [dreg:$0x0];
	s2 =	stileid.u32  }
0x37b: {  	s1 =	rddreg [dreg:$0x1];
	p0 =	sne.s32 s2, $0x0  }
0x37c: {  	s3 =	rddreg [dreg:$0x2];
	[bflag:$0x3] =	sbarrier.arrive $0xFFFF;
	s2 =	simm.s32 @!p0 $0x1C05  }
0x37d: {  	[timem:s3], [sflag:s2] =	dma.local @!p0 [hbm:s0], s1  }
0x37e: {  	s0 =	simm.s32 @!p0 $0x5  }
0x37f: {  	_ =	swait.ge @!p0 [sflag:s0], s1  }
0x380: {  	s1 =	ssub.s32 @!p0 $0x0, s1;
	[sflag:s0] =	ssyncset.done @!p0 $0x0  }
0x381: {  	[sflag:s0] =	ssyncadd.s32 @!p0 s1  }
0x382: {  	[bflag:$0x3] =	sbarrier.arrive $0xFFFF  }
0x383: {  	_ =	shalt  }

</sc_bundles>
